<compile_context>
chip_gen: v7x
topology: tpu7x:2x2x1
jax: 0.10.2.dev20260603
libtpu: 0.0.44.dev20260713+nightly
codegen_flags: <defaults>
</compile_context>

<pallas_src>
import functools

import jax
import jax.numpy as jnp
from jax import lax
from jax.experimental import pallas as pl
from jax.experimental.pallas import tpu as pltpu
from jax.experimental.pallas import tpu_sc as plsc

N = 10000
E = 320000
D = 128
H = 32
NB = 64
G = 2
BIGGER = 128
OUT = 1

NW = 32
EW = E // NW
C = 500
K = EW // C

N_PAD = 10240
RPT = N_PAD // 16
CW = 16

_MESH = dict(core_axis_name="c", subcore_axis_name="s")


def _tc_prep(x, gamma, beta, W1):
    def body(x_ref, g_ref, b_ref, w_ref, t_ref):
        xv = x_ref[...]
        m = jnp.mean(xv, axis=0, keepdims=True)
        v = jnp.mean((xv - m) ** 2, axis=0, keepdims=True)
        xn = (xv - m) * lax.rsqrt(v + 1e-5) * g_ref[...] + b_ref[...]
        wa = w_ref[:D, :]
        wb = w_ref[D:, :]
        a = jnp.dot(xn, wa - wb, preferred_element_type=jnp.float32)
        bb = jnp.dot(xn, wb, preferred_element_type=jnp.float32)
        t_ref[...] = jnp.concatenate(
            [a, bb, jnp.zeros((N, D - 2 * H), jnp.float32)], axis=1)

    return pl.pallas_call(
        body,
        out_shape=jax.ShapeDtypeStruct((N, D), jnp.float32),
    )(x, gamma.reshape(1, D), beta.reshape(1, D), W1)


def _sc_gather(T, dst_r, src_r):
    @functools.partial(
        pl.kernel,
        out_type=(jax.ShapeDtypeStruct((E, H), jnp.float32),
                  jax.ShapeDtypeStruct((E, H), jnp.float32)),
        mesh=plsc.VectorSubcoreMesh(**_MESH),
        compiler_params=pltpu.CompilerParams(use_tc_tiling_on_sc=False),
        scratch_types=[
            pltpu.VMEM((K, C), jnp.int32),
            pltpu.VMEM((K, C), jnp.int32),
            pltpu.VMEM((C, H), jnp.float32),
            pltpu.VMEM((C, H), jnp.float32),
            pltpu.VMEM((C, H), jnp.float32),
            pltpu.VMEM((C, H), jnp.float32),
            pltpu.VMEM_SHARED((N, H), jnp.float32),
            pltpu.VMEM_SHARED((N, H), jnp.float32),
            pltpu.SemaphoreType.DMA,
            pltpu.SemaphoreType.DMA,
            pltpu.SemaphoreType.DMA,
            pltpu.SemaphoreType.DMA,
            pltpu.SemaphoreType.DMA,
            pltpu.SemaphoreType.DMA,
            pltpu.SemaphoreType.DMA,
            pltpu.SemaphoreType.DMA,
        ],
    )
    def k(t_hbm, dst_hbm, src_hbm, ga_hbm, gb_hbm,
          dst_v, src_v, buf_a0, buf_a1, buf_b0, buf_b1, a_sh, b_sh,
          sem_a0, sem_a1, sem_b0, sem_b1, osem_a0, osem_a1, osem_b0,
          osem_b1):
        sid = lax.axis_index("s")
        wid = lax.axis_index("c") * 16 + sid
        pltpu.sync_copy(dst_hbm.at[wid], dst_v)
        pltpu.sync_copy(src_hbm.at[wid], src_v)

        @pl.when(sid == 0)
        def _():
            pltpu.sync_copy(t_hbm.at[:, pl.ds(0, H)], a_sh)
            pltpu.sync_copy(t_hbm.at[:, pl.ds(H, H)], b_sh)

        plsc.subcore_barrier()
        base = wid * EW
        bufs_a = (buf_a0, buf_a1)
        bufs_b = (buf_b0, buf_b1)
        sems_a = (sem_a0, sem_a1)
        sems_b = (sem_b0, sem_b1)

        def start_g(j, b):
            pltpu.async_copy(a_sh.at[dst_v.at[j]], bufs_a[b], sems_a[b])
            pltpu.async_copy(b_sh.at[src_v.at[j]], bufs_b[b], sems_b[b])

        def wait_g(j, b):
            pltpu.make_async_copy(a_sh.at[dst_v.at[j]], bufs_a[b],
                                  sems_a[b]).wait()
            pltpu.make_async_copy(b_sh.at[src_v.at[j]], bufs_b[b],
                                  sems_b[b]).wait()

        osems_a = (osem_a0, osem_a1)
        osems_b = (osem_b0, osem_b1)

        def start_o(j, b):
            pltpu.async_copy(bufs_a[b], ga_hbm.at[pl.ds(base + j * C, C)],
                             osems_a[b])
            pltpu.async_copy(bufs_b[b], gb_hbm.at[pl.ds(base + j * C, C)],
                             osems_b[b])

        def wait_o(j, b):
            pltpu.make_async_copy(bufs_a[b],
                                  ga_hbm.at[pl.ds(base + j * C, C)],
                                  osems_a[b]).wait()
            pltpu.make_async_copy(bufs_b[b],
                                  gb_hbm.at[pl.ds(base + j * C, C)],
                                  osems_b[b]).wait()

        start_g(0, 0)
        wait_g(0, 0)
        start_o(0, 0)
        start_g(1, 1)

        def step(j, carry):
            for b in (0, 1):
                @pl.when(j % 2 == b)
                def _():
                    wait_g(j, b)
                    start_o(j, b)
                    wait_o(j - 1, 1 - b)
                    start_g(j + 1, 1 - b)
            return carry

        lax.fori_loop(1, K - 1, step, 0)
        bl = (K - 1) % 2
        wait_g(K - 1, bl)
        start_o(K - 1, bl)
        wait_o(K - 2, 1 - bl)
        wait_o(K - 1, bl)

    return k(T, dst_r, src_r)


E4 = E // 4


def _tc_mlp(gA4, gB4, b1t, W2blk, b2t, W3blk, b3t):
    BE4 = 8000

    def body(a_ref, g_ref, b1_ref, w2_ref, b2_ref, w3_ref, b3_ref, o_ref):
        h = jnp.maximum(a_ref[...] + g_ref[...] + b1_ref[...], 0.0)
        h = jnp.dot(h, w2_ref[...], preferred_element_type=jnp.float32)
        h = jnp.maximum(h + b2_ref[...], 0.0)
        h = jnp.dot(h, w3_ref[...], preferred_element_type=jnp.float32)
        o_ref[...] = jnp.maximum(h + b3_ref[...], 0.0)

    full = lambda i: (0, 0)
    return pl.pallas_call(
        body,
        grid=(E4 // BE4,),
        in_specs=[
            pl.BlockSpec((BE4, 128), lambda i: (i, 0)),
            pl.BlockSpec((BE4, 128), lambda i: (i, 0)),
            pl.BlockSpec((1, 128), full),
            pl.BlockSpec((128, 128), lambda i: (0, 0)),
            pl.BlockSpec((1, 128), full),
            pl.BlockSpec((128, 128), lambda i: (0, 0)),
            pl.BlockSpec((1, 128), full),
        ],
        out_specs=pl.BlockSpec((BE4, 128), lambda i: (i, 0)),
        out_shape=jax.ShapeDtypeStruct((E4, 128), jnp.float32),
    )(gA4, gB4, b1t, W2blk, b2t, W3blk, b3t)


def _sc_scatter(h3, dst_r, s_init, c_init, ones):
    @functools.partial(
        pl.kernel,
        out_type=(jax.ShapeDtypeStruct((2, N_PAD, H), jnp.float32),
                  jax.ShapeDtypeStruct((2, N_PAD, CW), jnp.float32)),
        mesh=plsc.VectorSubcoreMesh(**_MESH),
        compiler_params=pltpu.CompilerParams(use_tc_tiling_on_sc=False),
        scratch_types=[
            pltpu.VMEM((K, C), jnp.int32),
            pltpu.VMEM((C, H), jnp.float32),
            pltpu.VMEM((C, H), jnp.float32),
            pltpu.VMEM((C, CW), jnp.float32),
            pltpu.VMEM_SHARED((N_PAD, H), jnp.float32),
            pltpu.VMEM_SHARED((N_PAD, CW), jnp.float32),
            pltpu.SemaphoreType.DMA,
            pltpu.SemaphoreType.DMA,
            pltpu.SemaphoreType.DMA,
            pltpu.SemaphoreType.DMA,
            pltpu.SemaphoreType.DMA,
            pltpu.SemaphoreType.DMA,
        ],
    )
    def k(h3_hbm, dst_hbm, sinit_hbm, cinit_hbm, ones_hbm, s_hbm, cnt_hbm,
          dst_v, hbuf0, hbuf1, ones_v, s_acc, c_acc, sem0, sem1,
          ssem0, ssem1, csem0, csem1):
        cid = lax.axis_index("c")
        sid = lax.axis_index("s")
        wid = cid * 16 + sid
        pltpu.sync_copy(dst_hbm.at[wid], dst_v)
        pltpu.sync_copy(ones_hbm, ones_v)

        slab = pl.ds(sid * RPT, RPT)
        pltpu.sync_copy(sinit_hbm.at[slab], s_acc.at[slab])
        pltpu.sync_copy(cinit_hbm.at[slab], c_acc.at[slab])
        plsc.subcore_barrier()

        base = wid * EW
        hbufs = (hbuf0, hbuf1)
        sems = (sem0, sem1)

        def start_l(j, b):
            pltpu.async_copy(h3_hbm.at[pl.ds(base + j * C, C)], hbufs[b],
                             sems[b])

        def wait_l(j, b):
            pltpu.make_async_copy(h3_hbm.at[pl.ds(base + j * C, C)],
                                  hbufs[b], sems[b]).wait()

        ssems = (ssem0, ssem1)
        csems = (csem0, csem1)

        def start_s(j, b):
            pltpu.async_copy(hbufs[b], s_acc.at[dst_v.at[j]], ssems[b],
                             add=True)
            pltpu.async_copy(ones_v, c_acc.at[dst_v.at[j]], csems[b],
                             add=True)

        def wait_s(j, b):
            pltpu.make_async_copy(hbufs[b], s_acc.at[dst_v.at[j]],
                                  ssems[b]).wait()
            pltpu.make_async_copy(ones_v, c_acc.at[dst_v.at[j]],
                                  csems[b]).wait()

        start_l(0, 0)
        wait_l(0, 0)
        start_s(0, 0)
        start_l(1, 1)

        def step(j, carry):
            for b in (0, 1):
                @pl.when(j % 2 == b)
                def _():
                    wait_l(j, b)
                    start_s(j, b)
                    wait_s(j - 1, 1 - b)
                    start_l(j + 1, 1 - b)
            return carry

        lax.fori_loop(1, K - 1, step, 0)
        bl = (K - 1) % 2
        wait_l(K - 1, bl)
        start_s(K - 1, bl)
        wait_s(K - 2, 1 - bl)
        wait_s(K - 1, bl)
        plsc.subcore_barrier()

        pltpu.sync_copy(s_acc.at[slab], s_hbm.at[cid, slab])
        pltpu.sync_copy(c_acc.at[slab], cnt_hbm.at[cid, slab])

    return k(h3, dst_r, s_init, c_init, ones)


def _tc_final(s_p, c_p, batch_pad, u, gamma_u, beta_u, V1, c1, V2, c2, V3, c3):
    def body(s_ref, c_ref, bt_ref, u_ref, gu_ref, bu_ref,
             v1_ref, c1_ref, v2_ref, c2_ref, v3_ref, c3_ref, o_ref):
        s = s_ref[0] + s_ref[1]
        cnt = c_ref[0, :, :1] + c_ref[1, :, :1]
        xc = s / jnp.maximum(cnt, 1.0)
        b = bt_ref[...]
        oh = (lax.broadcasted_iota(jnp.int32, (NB, N_PAD), 0) == b
              ).astype(jnp.float32)
        gs = jnp.dot(oh, xc, preferred_element_type=jnp.float32)
        gc = jnp.sum(oh, axis=1, keepdims=True)
        u2 = gs / jnp.maximum(gc, 1.0)
        uv = u_ref[...]
        mu = jnp.mean(uv, axis=0, keepdims=True)
        vu = jnp.mean((uv - mu) ** 2, axis=0, keepdims=True)
        u1 = (uv - mu) * lax.rsqrt(vu + 1e-5) * gu_ref[...] + bu_ref[...]
        uc = jnp.concatenate([u1, u2], axis=1)
        o = jnp.maximum(
            jnp.dot(uc, v1_ref[...], preferred_element_type=jnp.float32)
            + c1_ref[...], 0.0)
        o = jnp.maximum(
            jnp.dot(o, v2_ref[...], preferred_element_type=jnp.float32)
            + c2_ref[...], 0.0)
        o_ref[...] = (jnp.dot(o, v3_ref[...], preferred_element_type=jnp.float32)
                      + c3_ref[...])

    return pl.pallas_call(
        body,
        out_shape=jax.ShapeDtypeStruct((NB, OUT), jnp.float32),
    )(s_p, c_p, batch_pad, u, gamma_u.reshape(1, G), beta_u.reshape(1, G),
      V1, c1.reshape(1, BIGGER), V2, c2.reshape(1, BIGGER),
      V3, c3.reshape(1, OUT))


def kernel(x, edge_index, u, batch, gamma_x, beta_x, gamma_u, beta_u,
           W1, b1, W2, b2, W3, b3, V1, c1, V2, c2, V3, c3):
    src_r = edge_index[0].reshape(NW, K, C)
    dst_r = edge_index[1].reshape(NW, K, C)
    T = _tc_prep(x, gamma_x, beta_x, W1)
    gA, gB = _sc_gather(T, dst_r, src_r)
    eye4 = jnp.eye(4, dtype=jnp.float32)
    h3p = _tc_mlp(gA.reshape(E4, 128), gB.reshape(E4, 128),
                  jnp.tile(b1, 4).reshape(1, 128),
                  jnp.kron(eye4, W2), jnp.tile(b2, 4).reshape(1, 128),
                  jnp.kron(eye4, W3), jnp.tile(b3, 4).reshape(1, 128))
    s_p, c_p = _sc_scatter(h3p.reshape(E, H), dst_r,
                           jnp.zeros((N_PAD, H), jnp.float32),
                           jnp.zeros((N_PAD, CW), jnp.float32),
                           jnp.ones((C, CW), jnp.float32))
    batch_pad = jnp.concatenate(
        [batch, jnp.full((N_PAD - N,), NB, jnp.int32)]).reshape(1, N_PAD)
    return _tc_final(s_p, c_p, batch_pad, u, gamma_u, beta_u,
                     V1, c1, V2, c2, V3, c3)

# --- scband reference (transcript-rebuilt; emitter-appended) ---
"""Pipeline reference for scband-edge-net-35244501631590 (READ-ONLY COPY).

The authoritative reference and input builder live on the scoring server;
editing this copy changes nothing except your own understanding.
"""

import jax, jax.numpy as jnp
import numpy as np

N = 10000
E = 320000
D = 128
BIG = 32
BIGGER = 128
G = 2
OUT = 1
NB = 64


def _batchnorm(x, gamma, beta, eps=1e-5):
    m = jnp.mean(x, axis=0)
    v = jnp.var(x, axis=0)
    return (x - m) / jnp.sqrt(v + eps) * gamma + beta


def setup_inputs(seed: int = 0):
    key = jax.random.key(seed)
    ks = jax.random.split(key, 16)
    inp = {}
    inp['x'] = jax.random.normal(ks[0], (N, D), dtype=jnp.float32)
    inp['edge_index'] = jax.random.randint(ks[1], (2, E), 0, N, dtype=jnp.int32)
    inp['u'] = jax.random.normal(ks[2], (NB, G), dtype=jnp.float32)
    inp['batch'] = jnp.sort(jax.random.randint(ks[3], (N,), 0, NB, dtype=jnp.int32))
    inp['gamma_x'] = jnp.ones((D,), jnp.float32)
    inp['beta_x'] = jnp.zeros((D,), jnp.float32)
    inp['gamma_u'] = jnp.ones((G,), jnp.float32)
    inp['beta_u'] = jnp.zeros((G,), jnp.float32)
    inp['W1'] = jax.random.normal(ks[4], (2 * D, BIG), jnp.float32) * 0.05
    inp['b1'] = jnp.zeros((BIG,), jnp.float32)
    inp['W2'] = jax.random.normal(ks[5], (BIG, BIG), jnp.float32) * 0.05
    inp['b2'] = jnp.zeros((BIG,), jnp.float32)
    inp['W3'] = jax.random.normal(ks[6], (BIG, BIG), jnp.float32) * 0.05
    inp['b3'] = jnp.zeros((BIG,), jnp.float32)
    inp['V1'] = jax.random.normal(ks[7], (BIG + G, BIGGER), jnp.float32) * 0.05
    inp['c1'] = jnp.zeros((BIGGER,), jnp.float32)
    inp['V2'] = jax.random.normal(ks[8], (BIGGER, BIGGER), jnp.float32) * 0.05
    inp['c2'] = jnp.zeros((BIGGER,), jnp.float32)
    inp['V3'] = jax.random.normal(ks[9], (BIGGER, OUT), jnp.float32) * 0.05
    inp['c3'] = jnp.zeros((OUT,), jnp.float32)
    return inp


def reference(x, edge_index, u, batch, gamma_x, beta_x, gamma_u, beta_u,
              W1, b1, W2, b2, W3, b3, V1, c1, V2, c2, V3, c3):
    # data.x = batchnorm(data.x)
    xn = _batchnorm(x, gamma_x, beta_x)
    # EdgeConv: message = nn(cat([x_i, x_j - x_i])), aggregated (mean) at target i
    src = edge_index[0]
    dst = edge_index[1]
    xi = xn[dst]
    xj = xn[src]
    h = jnp.concatenate([xi, xj - xi], axis=-1)
    h = jax.nn.relu(h @ W1 + b1)
    h = jax.nn.relu(h @ W2 + b2)
    h = jax.nn.relu(h @ W3 + b3)
    s = jax.ops.segment_sum(h, dst, num_segments=N)
    cnt = jax.ops.segment_sum(jnp.ones((E,), jnp.float32), dst, num_segments=N)
    xc = s / jnp.maximum(cnt, 1.0)[:, None]
    # u1 = batchnormglobal(data.u)
    u1 = _batchnorm(u, gamma_u, beta_u)
    # u2 = scatter_mean(data.x, data.batch, dim=0)
    gs = jax.ops.segment_sum(xc, batch, num_segments=NB)
    gc = jax.ops.segment_sum(jnp.ones((N,), jnp.float32), batch, num_segments=NB)
    u2 = gs / jnp.maximum(gc, 1.0)[:, None]
    uc = jnp.concatenate([u1, u2], axis=-1)
    o = jax.nn.relu(uc @ V1 + c1)
    o = jax.nn.relu(o @ V2 + c2)
    return o @ V3 + c3

if __name__ == "__main__":
    import jax
    _d = setup_inputs()
    print(jax.jit(kernel)(*tuple(_d.values())))

</pallas_src>

<mosaic_0001>
#map = affine_map<(d0, d1) -> (0, 0)>
#map1 = affine_map<(d0, d1) -> (0, 0, 0)>
module attributes {stable_mosaic.version = 14 : i64} {
  func.func @k(%arg0: i32, %arg1: i32, %arg2: memref<320000x32xf32, #tpu.memory_space<hbm>>, %arg3: memref<32x20x500xi32, #tpu.memory_space<hbm>>, %arg4: memref<10240x32xf32, #tpu.memory_space<hbm>>, %arg5: memref<10240x16xf32, #tpu.memory_space<hbm>>, %arg6: memref<500x16xf32, #tpu.memory_space<hbm>>, %arg7: memref<2x10240x32xf32, #tpu.memory_space<hbm>>, %arg8: memref<2x10240x16xf32, #tpu.memory_space<hbm>>, %arg9: memref<20x500xi32, #tpu.memory_space<vmem>>, %arg10: memref<500x32xf32, #tpu.memory_space<vmem>>, %arg11: memref<500x32xf32, #tpu.memory_space<vmem>>, %arg12: memref<500x16xf32, #tpu.memory_space<vmem>>, %arg13: memref<10240x32xf32, #tpu.memory_space<vmem_shared>>, %arg14: memref<10240x16xf32, #tpu.memory_space<vmem_shared>>, %arg15: memref<!tpu.dma_semaphore, #tpu.memory_space<semaphore_mem>>, %arg16: memref<!tpu.dma_semaphore, #tpu.memory_space<semaphore_mem>>, %arg17: memref<!tpu.dma_semaphore, #tpu.memory_space<semaphore_mem>>, %arg18: memref<!tpu.dma_semaphore, #tpu.memory_space<semaphore_mem>>, %arg19: memref<!tpu.dma_semaphore, #tpu.memory_space<semaphore_mem>>, %arg20: memref<!tpu.dma_semaphore, #tpu.memory_space<semaphore_mem>>) attributes {dimension_semantics = [#tpu.dimension_semantics<core_parallel>, #tpu.dimension_semantics<subcore_parallel>], iteration_bounds = array<i64: 2, 16>, scalar_prefetch = 0 : i64, scratch_operands = 12 : i64, tpu.core_type = #tpu.core_type<sc_vector_subcore>, window_params = [{transform_indices = #map}, {transform_indices = #map1}, {transform_indices = #map}, {transform_indices = #map}, {transform_indices = #map}, {transform_indices = #map1}, {transform_indices = #map1}]} {
    %mul3A = arith.constant 16 : i32
    %mul3A_0 = arith.muli %arg0, %mul3A : i32
    %add3A = arith.addi %mul3A_0, %arg1 : i32
    "tpu.region"() ({
      %run_scoped3A = tpu.sem_alloc : memref<!tpu.dma_semaphore, #tpu.memory_space<semaphore_mem>>
      %dma_start3A_89 = arith.constant 0 : i32
      %dma_start3A_90 = arith.constant 0 : i32
      %dma_start3A_91 = tpu.memref_slice %arg3[%add3A, %dma_start3A_89, %dma_start3A_90] : memref<32x20x500xi32, #tpu.memory_space<hbm>> -> memref<1x20x500xi32, #tpu.memory_space<hbm>>
      %dma_start3A_92 = tpu.memref_squeeze %dma_start3A_91 : memref<1x20x500xi32, #tpu.memory_space<hbm>> -> memref<20x500xi32, #tpu.memory_space<hbm>>
      %dma_start3A_93 = arith.constant 0 : i32
      %dma_start3A_94 = arith.constant 0 : i32
      %dma_start3A_95 = tpu.memref_slice %arg3[%add3A, %dma_start3A_93, %dma_start3A_94] : memref<32x20x500xi32, #tpu.memory_space<hbm>> -> memref<1x20x500xi32, #tpu.memory_space<hbm>>
      %dma_start3A_96 = tpu.memref_squeeze %dma_start3A_95 : memref<1x20x500xi32, #tpu.memory_space<hbm>> -> memref<20x500xi32, #tpu.memory_space<hbm>>
      tpu.enqueue_dma source(%dma_start3A_96 : memref<20x500xi32, #tpu.memory_space<hbm>>) target(%arg9 : memref<20x500xi32, #tpu.memory_space<vmem>>) target_semaphore(%run_scoped3A : memref<!tpu.dma_semaphore, #tpu.memory_space<semaphore_mem>>)
      %dma_wait3A_97 = arith.constant 0 : i32
      %dma_wait3A_98 = arith.constant 0 : i32
      %dma_wait3A_99 = tpu.memref_slice %arg3[%add3A, %dma_wait3A_97, %dma_wait3A_98] : memref<32x20x500xi32, #tpu.memory_space<hbm>> -> memref<1x20x500xi32, #tpu.memory_space<hbm>>
      %dma_wait3A_100 = tpu.memref_squeeze %dma_wait3A_99 : memref<1x20x500xi32, #tpu.memory_space<hbm>> -> memref<20x500xi32, #tpu.memory_space<hbm>>
      %dma_wait3A_101 = arith.constant 0 : i32
      %dma_wait3A_102 = arith.constant 0 : i32
      %dma_wait3A_103 = tpu.memref_slice %arg3[%add3A, %dma_wait3A_101, %dma_wait3A_102] : memref<32x20x500xi32, #tpu.memory_space<hbm>> -> memref<1x20x500xi32, #tpu.memory_space<hbm>>
      %dma_wait3A_104 = tpu.memref_squeeze %dma_wait3A_103 : memref<1x20x500xi32, #tpu.memory_space<hbm>> -> memref<20x500xi32, #tpu.memory_space<hbm>>
      tpu.wait_dma2 semaphore(%run_scoped3A : memref<!tpu.dma_semaphore, #tpu.memory_space<semaphore_mem>>) src(%dma_wait3A_104 : memref<20x500xi32, #tpu.memory_space<hbm>>) dst(%arg9 : memref<20x500xi32, #tpu.memory_space<vmem>>)
      tpu.yield
    }) : () -> ()
    "tpu.region"() ({
      %run_scoped3A = tpu.sem_alloc : memref<!tpu.dma_semaphore, #tpu.memory_space<semaphore_mem>>
      tpu.enqueue_dma source(%arg6 : memref<500x16xf32, #tpu.memory_space<hbm>>) target(%arg12 : memref<500x16xf32, #tpu.memory_space<vmem>>) target_semaphore(%run_scoped3A : memref<!tpu.dma_semaphore, #tpu.memory_space<semaphore_mem>>)
      tpu.wait_dma2 semaphore(%run_scoped3A : memref<!tpu.dma_semaphore, #tpu.memory_space<semaphore_mem>>) src(%arg6 : memref<500x16xf32, #tpu.memory_space<hbm>>) dst(%arg12 : memref<500x16xf32, #tpu.memory_space<vmem>>)
      tpu.yield
    }) : () -> ()
    %mul3A_1 = arith.constant 640 : i32
    %mul3A_2 = arith.muli %arg1, %mul3A_1 : i32
    "tpu.region"() ({
      %run_scoped3A = tpu.sem_alloc : memref<!tpu.dma_semaphore, #tpu.memory_space<semaphore_mem>>
      %dma_start3A_89 = arith.constant 0 : i32
      %dma_start3A_90 = tpu.memref_slice %arg13[%mul3A_2, %dma_start3A_89] : memref<10240x32xf32, #tpu.memory_space<vmem_shared>> -> memref<640x32xf32, #tpu.memory_space<vmem_shared>>
      %dma_start3A_91 = arith.constant 0 : i32
      %dma_start3A_92 = tpu.memref_slice %arg4[%mul3A_2, %dma_start3A_91] : memref<10240x32xf32, #tpu.memory_space<hbm>> -> memref<640x32xf32, #tpu.memory_space<hbm>>
      tpu.enqueue_dma source(%dma_start3A_92 : memref<640x32xf32, #tpu.memory_space<hbm>>) target(%dma_start3A_90 : memref<640x32xf32, #tpu.memory_space<vmem_shared>>) target_semaphore(%run_scoped3A : memref<!tpu.dma_semaphore, #tpu.memory_space<semaphore_mem>>)
      %dma_wait3A_93 = arith.constant 0 : i32
      %dma_wait3A_94 = tpu.memref_slice %arg13[%mul3A_2, %dma_wait3A_93] : memref<10240x32xf32, #tpu.memory_space<vmem_shared>> -> memref<640x32xf32, #tpu.memory_space<vmem_shared>>
      %dma_wait3A_95 = arith.constant 0 : i32
      %dma_wait3A_96 = tpu.memref_slice %arg4[%mul3A_2, %dma_wait3A_95] : memref<10240x32xf32, #tpu.memory_space<hbm>> -> memref<640x32xf32, #tpu.memory_space<hbm>>
      tpu.wait_dma2 semaphore(%run_scoped3A : memref<!tpu.dma_semaphore, #tpu.memory_space<semaphore_mem>>) src(%dma_wait3A_96 : memref<640x32xf32, #tpu.memory_space<hbm>>) dst(%dma_wait3A_94 : memref<640x32xf32, #tpu.memory_space<vmem_shared>>)
      tpu.yield
    }) : () -> ()
    "tpu.region"() ({
      %run_scoped3A = tpu.sem_alloc : memref<!tpu.dma_semaphore, #tpu.memory_space<semaphore_mem>>
      %dma_start3A_89 = arith.constant 0 : i32
      %dma_start3A_90 = tpu.memref_slice %arg14[%mul3A_2, %dma_start3A_89] : memref<10240x16xf32, #tpu.memory_space<vmem_shared>> -> memref<640x16xf32, #tpu.memory_space<vmem_shared>>
      %dma_start3A_91 = arith.constant 0 : i32
      %dma_start3A_92 = tpu.memref_slice %arg5[%mul3A_2, %dma_start3A_91] : memref<10240x16xf32, #tpu.memory_space<hbm>> -> memref<640x16xf32, #tpu.memory_space<hbm>>
      tpu.enqueue_dma source(%dma_start3A_92 : memref<640x16xf32, #tpu.memory_space<hbm>>) target(%dma_start3A_90 : memref<640x16xf32, #tpu.memory_space<vmem_shared>>) target_semaphore(%run_scoped3A : memref<!tpu.dma_semaphore, #tpu.memory_space<semaphore_mem>>)
      %dma_wait3A_93 = arith.constant 0 : i32
      %dma_wait3A_94 = tpu.memref_slice %arg14[%mul3A_2, %dma_wait3A_93] : memref<10240x16xf32, #tpu.memory_space<vmem_shared>> -> memref<640x16xf32, #tpu.memory_space<vmem_shared>>
      %dma_wait3A_95 = arith.constant 0 : i32
      %dma_wait3A_96 = tpu.memref_slice %arg5[%mul3A_2, %dma_wait3A_95] : memref<10240x16xf32, #tpu.memory_space<hbm>> -> memref<640x16xf32, #tpu.memory_space<hbm>>
      tpu.wait_dma2 semaphore(%run_scoped3A : memref<!tpu.dma_semaphore, #tpu.memory_space<semaphore_mem>>) src(%dma_wait3A_96 : memref<640x16xf32, #tpu.memory_space<hbm>>) dst(%dma_wait3A_94 : memref<640x16xf32, #tpu.memory_space<vmem_shared>>)
      tpu.yield
    }) : () -> ()
    %barrier3A = arith.constant 0 : index
    tpu.barrier barrier_id(%barrier3A)
    %mul3A_3 = arith.constant 10000 : i32
    %mul3A_4 = arith.muli %add3A, %mul3A_3 : i32
    %add3A_5 = arith.constant 0 : i32
    %add3A_6 = arith.addi %mul3A_4, %add3A_5 : i32
    %dma_start3A = arith.constant 0 : i32
    %dma_start3A_7 = tpu.memref_slice %arg2[%add3A_6, %dma_start3A] : memref<320000x32xf32, #tpu.memory_space<hbm>> -> memref<500x32xf32, #tpu.memory_space<hbm>>
    %dma_start3A_8 = arith.constant 0 : i32
    %dma_start3A_9 = tpu.memref_slice %arg2[%add3A_6, %dma_start3A_8] : memref<320000x32xf32, #tpu.memory_space<hbm>> -> memref<500x32xf32, #tpu.memory_space<hbm>>
    tpu.enqueue_dma source(%dma_start3A_9 : memref<500x32xf32, #tpu.memory_space<hbm>>) target(%arg10 : memref<500x32xf32, #tpu.memory_space<vmem>>) target_semaphore(%arg15 : memref<!tpu.dma_semaphore, #tpu.memory_space<semaphore_mem>>)
    %add3A_10 = arith.constant 0 : i32
    %add3A_11 = arith.addi %mul3A_4, %add3A_10 : i32
    %dma_wait3A = arith.constant 0 : i32
    %dma_wait3A_12 = tpu.memref_slice %arg2[%add3A_11, %dma_wait3A] : memref<320000x32xf32, #tpu.memory_space<hbm>> -> memref<500x32xf32, #tpu.memory_space<hbm>>
    %dma_wait3A_13 = arith.constant 0 : i32
    %dma_wait3A_14 = tpu.memref_slice %arg2[%add3A_11, %dma_wait3A_13] : memref<320000x32xf32, #tpu.memory_space<hbm>> -> memref<500x32xf32, #tpu.memory_space<hbm>>
    tpu.wait_dma2 semaphore(%arg15 : memref<!tpu.dma_semaphore, #tpu.memory_space<semaphore_mem>>) src(%dma_wait3A_14 : memref<500x32xf32, #tpu.memory_space<hbm>>) dst(%arg10 : memref<500x32xf32, #tpu.memory_space<vmem>>)
    %dma_start3A_15 = arith.constant 0 : i32
    %dma_start3A_16 = arith.constant 0 : i32
    %dma_start3A_17 = tpu.memref_slice %arg9[%dma_start3A_15, %dma_start3A_16] : memref<20x500xi32, #tpu.memory_space<vmem>> -> memref<1x500xi32, #tpu.memory_space<vmem>>
    %dma_start3A_18 = tpu.memref_squeeze %dma_start3A_17 : memref<1x500xi32, #tpu.memory_space<vmem>> -> memref<500xi32, #tpu.memory_space<vmem>>
    %dma_start3A_19 = arith.constant 0 : i32
    %dma_start3A_20 = arith.constant 0 : i32
    %dma_start3A_21 = tpu.memref_slice %arg13[%dma_start3A_19, %dma_start3A_20] : memref<10240x32xf32, #tpu.memory_space<vmem_shared>> -> memref<10240x32xf32, #tpu.memory_space<vmem_shared>>
    tpu.enqueue_indirect_dma source(%arg10 : memref<500x32xf32, #tpu.memory_space<vmem>>) target(%dma_start3A_21 : memref<10240x32xf32, #tpu.memory_space<vmem_shared>>) offsets(%dma_start3A_18 : memref<500xi32, #tpu.memory_space<vmem>>) semaphore(%arg17 : memref<!tpu.dma_semaphore, #tpu.memory_space<semaphore_mem>>) {add = true}
    %dma_start3A_22 = arith.constant 0 : i32
    %dma_start3A_23 = arith.constant 0 : i32
    %dma_start3A_24 = tpu.memref_slice %arg9[%dma_start3A_22, %dma_start3A_23] : memref<20x500xi32, #tpu.memory_space<vmem>> -> memref<1x500xi32, #tpu.memory_space<vmem>>
    %dma_start3A_25 = tpu.memref_squeeze %dma_start3A_24 : memref<1x500xi32, #tpu.memory_space<vmem>> -> memref<500xi32, #tpu.memory_space<vmem>>
    %dma_start3A_26 = arith.constant 0 : i32
    %dma_start3A_27 = arith.constant 0 : i32
    %dma_start3A_28 = tpu.memref_slice %arg14[%dma_start3A_26, %dma_start3A_27] : memref<10240x16xf32, #tpu.memory_space<vmem_shared>> -> memref<10240x16xf32, #tpu.memory_space<vmem_shared>>
    tpu.enqueue_indirect_dma source(%arg12 : memref<500x16xf32, #tpu.memory_space<vmem>>) target(%dma_start3A_28 : memref<10240x16xf32, #tpu.memory_space<vmem_shared>>) offsets(%dma_start3A_25 : memref<500xi32, #tpu.memory_space<vmem>>) semaphore(%arg19 : memref<!tpu.dma_semaphore, #tpu.memory_space<semaphore_mem>>) {add = true}
    %add3A_29 = arith.constant 500 : i32
    %add3A_30 = arith.addi %mul3A_4, %add3A_29 : i32
    %dma_start3A_31 = arith.constant 0 : i32
    %dma_start3A_32 = tpu.memref_slice %arg2[%add3A_30, %dma_start3A_31] : memref<320000x32xf32, #tpu.memory_space<hbm>> -> memref<500x32xf32, #tpu.memory_space<hbm>>
    %dma_start3A_33 = arith.constant 0 : i32
    %dma_start3A_34 = tpu.memref_slice %arg2[%add3A_30, %dma_start3A_33] : memref<320000x32xf32, #tpu.memory_space<hbm>> -> memref<500x32xf32, #tpu.memory_space<hbm>>
    tpu.enqueue_dma source(%dma_start3A_34 : memref<500x32xf32, #tpu.memory_space<hbm>>) target(%arg11 : memref<500x32xf32, #tpu.memory_space<vmem>>) target_semaphore(%arg16 : memref<!tpu.dma_semaphore, #tpu.memory_space<semaphore_mem>>)
    %scan3A = arith.constant 0 : i32
    %scan3A_35 = arith.constant 1 : i32
    %scan3A_36 = arith.constant 18 : i32
    %scan3A_37 = arith.addi %scan3A_35, %scan3A_36 : i32
    %scan3A_38 = arith.constant 1 : i32
    scf.for %scan3A_89 = %scan3A_35 to %scan3A_37 step %scan3A_38  : i32 {
      %jit3A = arith.constant 2 : i32
      %eq3A = arith.constant 0 : i32
      %eq3A_90 = arith.cmpi eq, %jit3A, %eq3A : i32
      %jit3A_91 = arith.constant 1 : i32
      %select_n3A = arith.select %eq3A_90, %jit3A_91, %jit3A : i32
      %rem3A = arith.remsi %scan3A_89, %select_n3A : i32
      %ne3A = arith.constant 0 : i32
      %ne3A_92 = arith.cmpi ne, %rem3A, %ne3A : i32
      %lt3A = arith.constant 0 : i32
      %lt3A_93 = arith.cmpi slt, %rem3A, %lt3A : i32
      %lt3A_94 = arith.constant 0 : i32
      %lt3A_95 = arith.cmpi slt, %select_n3A, %lt3A_94 : i32
      %ne3A_96 = arith.xori %lt3A_93, %lt3A_95 : i1
      %and3A = arith.andi %ne3A_96, %ne3A_92 : i1
      %add3A_97 = arith.addi %rem3A, %select_n3A : i32
      %select_n3A_98 = arith.select %and3A, %add3A_97, %rem3A : i32
      %eq3A_99 = arith.constant 0 : i32
      %eq3A_100 = arith.cmpi eq, %select_n3A_98, %eq3A_99 : i32
      %convert_element_type3A = arith.extui %eq3A_100 : i1 to i32
      %cond3A = arith.constant 0 : i32
      %cond3A_101 = arith.cmpi ne, %convert_element_type3A, %cond3A : i32
      scf.if %cond3A_101 {
        %mul3A_123 = arith.constant 500 : i32
        %mul3A_124 = arith.muli %scan3A_89, %mul3A_123 : i32
        %add3A_125 = arith.addi %mul3A_4, %mul3A_124 : i32
        %dma_wait3A_126 = arith.constant 0 : i32
        %dma_wait3A_127 = tpu.memref_slice %arg2[%add3A_125, %dma_wait3A_126] : memref<320000x32xf32, #tpu.memory_space<hbm>> -> memref<500x32xf32, #tpu.memory_space<hbm>>
        %dma_wait3A_128 = arith.constant 0 : i32
        %dma_wait3A_129 = tpu.memref_slice %arg2[%add3A_125, %dma_wait3A_128] : memref<320000x32xf32, #tpu.memory_space<hbm>> -> memref<500x32xf32, #tpu.memory_space<hbm>>
        tpu.wait_dma2 semaphore(%arg15 : memref<!tpu.dma_semaphore, #tpu.memory_space<semaphore_mem>>) src(%dma_wait3A_129 : memref<500x32xf32, #tpu.memory_space<hbm>>) dst(%arg10 : memref<500x32xf32, #tpu.memory_space<vmem>>)
        %dma_start3A_130 = arith.constant 0 : i32
        %dma_start3A_131 = tpu.memref_slice %arg9[%scan3A_89, %dma_start3A_130] : memref<20x500xi32, #tpu.memory_space<vmem>> -> memref<1x500xi32, #tpu.memory_space<vmem>>
        %dma_start3A_132 = tpu.memref_squeeze %dma_start3A_131 : memref<1x500xi32, #tpu.memory_space<vmem>> -> memref<500xi32, #tpu.memory_space<vmem>>
        %dma_start3A_133 = arith.constant 0 : i32
        %dma_start3A_134 = arith.constant 0 : i32
        %dma_start3A_135 = tpu.memref_slice %arg13[%dma_start3A_133, %dma_start3A_134] : memref<10240x32xf32, #tpu.memory_space<vmem_shared>> -> memref<10240x32xf32, #tpu.memory_space<vmem_shared>>
        tpu.enqueue_indirect_dma source(%arg10 : memref<500x32xf32, #tpu.memory_space<vmem>>) target(%dma_start3A_135 : memref<10240x32xf32, #tpu.memory_space<vmem_shared>>) offsets(%dma_start3A_132 : memref<500xi32, #tpu.memory_space<vmem>>) semaphore(%arg17 : memref<!tpu.dma_semaphore, #tpu.memory_space<semaphore_mem>>) {add = true}
        %dma_start3A_136 = arith.constant 0 : i32
        %dma_start3A_137 = tpu.memref_slice %arg9[%scan3A_89, %dma_start3A_136] : memref<20x500xi32, #tpu.memory_space<vmem>> -> memref<1x500xi32, #tpu.memory_space<vmem>>
        %dma_start3A_138 = tpu.memref_squeeze %dma_start3A_137 : memref<1x500xi32, #tpu.memory_space<vmem>> -> memref<500xi32, #tpu.memory_space<vmem>>
        %dma_start3A_139 = arith.constant 0 : i32
        %dma_start3A_140 = arith.constant 0 : i32
        %dma_start3A_141 = tpu.memref_slice %arg14[%dma_start3A_139, %dma_start3A_140] : memref<10240x16xf32, #tpu.memory_space<vmem_shared>> -> memref<10240x16xf32, #tpu.memory_space<vmem_shared>>
        tpu.enqueue_indirect_dma source(%arg12 : memref<500x16xf32, #tpu.memory_space<vmem>>) target(%dma_start3A_141 : memref<10240x16xf32, #tpu.memory_space<vmem_shared>>) offsets(%dma_start3A_138 : memref<500xi32, #tpu.memory_space<vmem>>) semaphore(%arg19 : memref<!tpu.dma_semaphore, #tpu.memory_space<semaphore_mem>>) {add = true}
        %sub3A = arith.constant 1 : i32
        %sub3A_142 = arith.subi %scan3A_89, %sub3A : i32
        %dma_wait3A_143 = arith.constant 0 : i32
        %dma_wait3A_144 = tpu.memref_slice %arg9[%sub3A_142, %dma_wait3A_143] : memref<20x500xi32, #tpu.memory_space<vmem>> -> memref<1x500xi32, #tpu.memory_space<vmem>>
        %dma_wait3A_145 = tpu.memref_squeeze %dma_wait3A_144 : memref<1x500xi32, #tpu.memory_space<vmem>> -> memref<500xi32, #tpu.memory_space<vmem>>
        %dma_wait3A_146 = arith.constant 0 : i32
        %dma_wait3A_147 = arith.constant 0 : i32
        %dma_wait3A_148 = tpu.memref_slice %arg13[%dma_wait3A_146, %dma_wait3A_147] : memref<10240x32xf32, #tpu.memory_space<vmem_shared>> -> memref<10240x32xf32, #tpu.memory_space<vmem_shared>>
        tpu.wait_indirect_dma semaphore(%arg18 : memref<!tpu.dma_semaphore, #tpu.memory_space<semaphore_mem>>) src(%arg11 : memref<500x32xf32, #tpu.memory_space<vmem>>) dst(%dma_wait3A_148 : memref<10240x32xf32, #tpu.memory_space<vmem_shared>>)
        %dma_wait3A_149 = arith.constant 0 : i32
        %dma_wait3A_150 = tpu.memref_slice %arg9[%sub3A_142, %dma_wait3A_149] : memref<20x500xi32, #tpu.memory_space<vmem>> -> memref<1x500xi32, #tpu.memory_space<vmem>>
        %dma_wait3A_151 = tpu.memref_squeeze %dma_wait3A_150 : memref<1x500xi32, #tpu.memory_space<vmem>> -> memref<500xi32, #tpu.memory_space<vmem>>
        %dma_wait3A_152 = arith.constant 0 : i32
        %dma_wait3A_153 = arith.constant 0 : i32
        %dma_wait3A_154 = tpu.memref_slice %arg14[%dma_wait3A_152, %dma_wait3A_153] : memref<10240x16xf32, #tpu.memory_space<vmem_shared>> -> memref<10240x16xf32, #tpu.memory_space<vmem_shared>>
        tpu.wait_indirect_dma semaphore(%arg20 : memref<!tpu.dma_semaphore, #tpu.memory_space<semaphore_mem>>) src(%arg12 : memref<500x16xf32, #tpu.memory_space<vmem>>) dst(%dma_wait3A_154 : memref<10240x16xf32, #tpu.memory_space<vmem_shared>>)
        %add3A_155 = arith.constant 1 : i32
        %add3A_156 = arith.addi %scan3A_89, %add3A_155 : i32
        %mul3A_157 = arith.constant 500 : i32
        %mul3A_158 = arith.muli %add3A_156, %mul3A_157 : i32
        %add3A_159 = arith.addi %mul3A_4, %mul3A_158 : i32
        %dma_start3A_160 = arith.constant 0 : i32
        %dma_start3A_161 = tpu.memref_slice %arg2[%add3A_159, %dma_start3A_160] : memref<320000x32xf32, #tpu.memory_space<hbm>> -> memref<500x32xf32, #tpu.memory_space<hbm>>
        %dma_start3A_162 = arith.constant 0 : i32
        %dma_start3A_163 = tpu.memref_slice %arg2[%add3A_159, %dma_start3A_162] : memref<320000x32xf32, #tpu.memory_space<hbm>> -> memref<500x32xf32, #tpu.memory_space<hbm>>
        tpu.enqueue_dma source(%dma_start3A_163 : memref<500x32xf32, #tpu.memory_space<hbm>>) target(%arg11 : memref<500x32xf32, #tpu.memory_space<vmem>>) target_semaphore(%arg16 : memref<!tpu.dma_semaphore, #tpu.memory_space<semaphore_mem>>)
      } else {
      }
      %jit3A_102 = arith.constant 2 : i32
      %eq3A_103 = arith.constant 0 : i32
      %eq3A_104 = arith.cmpi eq, %jit3A_102, %eq3A_103 : i32
      %jit3A_105 = arith.constant 1 : i32
      %select_n3A_106 = arith.select %eq3A_104, %jit3A_105, %jit3A_102 : i32
      %rem3A_107 = arith.remsi %scan3A_89, %select_n3A_106 : i32
      %ne3A_108 = arith.constant 0 : i32
      %ne3A_109 = arith.cmpi ne, %rem3A_107, %ne3A_108 : i32
      %lt3A_110 = arith.constant 0 : i32
      %lt3A_111 = arith.cmpi slt, %rem3A_107, %lt3A_110 : i32
      %lt3A_112 = arith.constant 0 : i32
      %lt3A_113 = arith.cmpi slt, %select_n3A_106, %lt3A_112 : i32
      %ne3A_114 = arith.xori %lt3A_111, %lt3A_113 : i1
      %and3A_115 = arith.andi %ne3A_114, %ne3A_109 : i1
      %add3A_116 = arith.addi %rem3A_107, %select_n3A_106 : i32
      %select_n3A_117 = arith.select %and3A_115, %add3A_116, %rem3A_107 : i32
      %eq3A_118 = arith.constant 1 : i32
      %eq3A_119 = arith.cmpi eq, %select_n3A_117, %eq3A_118 : i32
      %convert_element_type3A_120 = arith.extui %eq3A_119 : i1 to i32
      %cond3A_121 = arith.constant 0 : i32
      %cond3A_122 = arith.cmpi ne, %convert_element_type3A_120, %cond3A_121 : i32
      scf.if %cond3A_122 {
        %mul3A_123 = arith.constant 500 : i32
        %mul3A_124 = arith.muli %scan3A_89, %mul3A_123 : i32
        %add3A_125 = arith.addi %mul3A_4, %mul3A_124 : i32
        %dma_wait3A_126 = arith.constant 0 : i32
        %dma_wait3A_127 = tpu.memref_slice %arg2[%add3A_125, %dma_wait3A_126] : memref<320000x32xf32, #tpu.memory_space<hbm>> -> memref<500x32xf32, #tpu.memory_space<hbm>>
        %dma_wait3A_128 = arith.constant 0 : i32
        %dma_wait3A_129 = tpu.memref_slice %arg2[%add3A_125, %dma_wait3A_128] : memref<320000x32xf32, #tpu.memory_space<hbm>> -> memref<500x32xf32, #tpu.memory_space<hbm>>
        tpu.wait_dma2 semaphore(%arg16 : memref<!tpu.dma_semaphore, #tpu.memory_space<semaphore_mem>>) src(%dma_wait3A_129 : memref<500x32xf32, #tpu.memory_space<hbm>>) dst(%arg11 : memref<500x32xf32, #tpu.memory_space<vmem>>)
        %dma_start3A_130 = arith.constant 0 : i32
        %dma_start3A_131 = tpu.memref_slice %arg9[%scan3A_89, %dma_start3A_130] : memref<20x500xi32, #tpu.memory_space<vmem>> -> memref<1x500xi32, #tpu.memory_space<vmem>>
        %dma_start3A_132 = tpu.memref_squeeze %dma_start3A_131 : memref<1x500xi32, #tpu.memory_space<vmem>> -> memref<500xi32, #tpu.memory_space<vmem>>
        %dma_start3A_133 = arith.constant 0 : i32
        %dma_start3A_134 = arith.constant 0 : i32
        %dma_start3A_135 = tpu.memref_slice %arg13[%dma_start3A_133, %dma_start3A_134] : memref<10240x32xf32, #tpu.memory_space<vmem_shared>> -> memref<10240x32xf32, #tpu.memory_space<vmem_shared>>
        tpu.enqueue_indirect_dma source(%arg11 : memref<500x32xf32, #tpu.memory_space<vmem>>) target(%dma_start3A_135 : memref<10240x32xf32, #tpu.memory_space<vmem_shared>>) offsets(%dma_start3A_132 : memref<500xi32, #tpu.memory_space<vmem>>) semaphore(%arg18 : memref<!tpu.dma_semaphore, #tpu.memory_space<semaphore_mem>>) {add = true}
        %dma_start3A_136 = arith.constant 0 : i32
        %dma_start3A_137 = tpu.memref_slice %arg9[%scan3A_89, %dma_start3A_136] : memref<20x500xi32, #tpu.memory_space<vmem>> -> memref<1x500xi32, #tpu.memory_space<vmem>>
        %dma_start3A_138 = tpu.memref_squeeze %dma_start3A_137 : memref<1x500xi32, #tpu.memory_space<vmem>> -> memref<500xi32, #tpu.memory_space<vmem>>
        %dma_start3A_139 = arith.constant 0 : i32
        %dma_start3A_140 = arith.constant 0 : i32
        %dma_start3A_141 = tpu.memref_slice %arg14[%dma_start3A_139, %dma_start3A_140] : memref<10240x16xf32, #tpu.memory_space<vmem_shared>> -> memref<10240x16xf32, #tpu.memory_space<vmem_shared>>
        tpu.enqueue_indirect_dma source(%arg12 : memref<500x16xf32, #tpu.memory_space<vmem>>) target(%dma_start3A_141 : memref<10240x16xf32, #tpu.memory_space<vmem_shared>>) offsets(%dma_start3A_138 : memref<500xi32, #tpu.memory_space<vmem>>) semaphore(%arg20 : memref<!tpu.dma_semaphore, #tpu.memory_space<semaphore_mem>>) {add = true}
        %sub3A = arith.constant 1 : i32
        %sub3A_142 = arith.subi %scan3A_89, %sub3A : i32
        %dma_wait3A_143 = arith.constant 0 : i32
        %dma_wait3A_144 = tpu.memref_slice %arg9[%sub3A_142, %dma_wait3A_143] : memref<20x500xi32, #tpu.memory_space<vmem>> -> memref<1x500xi32, #tpu.memory_space<vmem>>
        %dma_wait3A_145 = tpu.memref_squeeze %dma_wait3A_144 : memref<1x500xi32, #tpu.memory_space<vmem>> -> memref<500xi32, #tpu.memory_space<vmem>>
        %dma_wait3A_146 = arith.constant 0 : i32
        %dma_wait3A_147 = arith.constant 0 : i32
        %dma_wait3A_148 = tpu.memref_slice %arg13[%dma_wait3A_146, %dma_wait3A_147] : memref<10240x32xf32, #tpu.memory_space<vmem_shared>> -> memref<10240x32xf32, #tpu.memory_space<vmem_shared>>
        tpu.wait_indirect_dma semaphore(%arg17 : memref<!tpu.dma_semaphore, #tpu.memory_space<semaphore_mem>>) src(%arg10 : memref<500x32xf32, #tpu.memory_space<vmem>>) dst(%dma_wait3A_148 : memref<10240x32xf32, #tpu.memory_space<vmem_shared>>)
        %dma_wait3A_149 = arith.constant 0 : i32
        %dma_wait3A_150 = tpu.memref_slice %arg9[%sub3A_142, %dma_wait3A_149] : memref<20x500xi32, #tpu.memory_space<vmem>> -> memref<1x500xi32, #tpu.memory_space<vmem>>
        %dma_wait3A_151 = tpu.memref_squeeze %dma_wait3A_150 : memref<1x500xi32, #tpu.memory_space<vmem>> -> memref<500xi32, #tpu.memory_space<vmem>>
        %dma_wait3A_152 = arith.constant 0 : i32
        %dma_wait3A_153 = arith.constant 0 : i32
        %dma_wait3A_154 = tpu.memref_slice %arg14[%dma_wait3A_152, %dma_wait3A_153] : memref<10240x16xf32, #tpu.memory_space<vmem_shared>> -> memref<10240x16xf32, #tpu.memory_space<vmem_shared>>
        tpu.wait_indirect_dma semaphore(%arg19 : memref<!tpu.dma_semaphore, #tpu.memory_space<semaphore_mem>>) src(%arg12 : memref<500x16xf32, #tpu.memory_space<vmem>>) dst(%dma_wait3A_154 : memref<10240x16xf32, #tpu.memory_space<vmem_shared>>)
        %add3A_155 = arith.constant 1 : i32
        %add3A_156 = arith.addi %scan3A_89, %add3A_155 : i32
        %mul3A_157 = arith.constant 500 : i32
        %mul3A_158 = arith.muli %add3A_156, %mul3A_157 : i32
        %add3A_159 = arith.addi %mul3A_4, %mul3A_158 : i32
        %dma_start3A_160 = arith.constant 0 : i32
        %dma_start3A_161 = tpu.memref_slice %arg2[%add3A_159, %dma_start3A_160] : memref<320000x32xf32, #tpu.memory_space<hbm>> -> memref<500x32xf32, #tpu.memory_space<hbm>>
        %dma_start3A_162 = arith.constant 0 : i32
        %dma_start3A_163 = tpu.memref_slice %arg2[%add3A_159, %dma_start3A_162] : memref<320000x32xf32, #tpu.memory_space<hbm>> -> memref<500x32xf32, #tpu.memory_space<hbm>>
        tpu.enqueue_dma source(%dma_start3A_163 : memref<500x32xf32, #tpu.memory_space<hbm>>) target(%arg10 : memref<500x32xf32, #tpu.memory_space<vmem>>) target_semaphore(%arg15 : memref<!tpu.dma_semaphore, #tpu.memory_space<semaphore_mem>>)
      } else {
      }
    }
    %scan3A_39 = arith.constant 18 : i32
    %add3A_40 = arith.constant 9500 : i32
    %add3A_41 = arith.addi %mul3A_4, %add3A_40 : i32
    %dma_wait3A_42 = arith.constant 0 : i32
    %dma_wait3A_43 = tpu.memref_slice %arg2[%add3A_41, %dma_wait3A_42] : memref<320000x32xf32, #tpu.memory_space<hbm>> -> memref<500x32xf32, #tpu.memory_space<hbm>>
    %dma_wait3A_44 = arith.constant 0 : i32
    %dma_wait3A_45 = tpu.memref_slice %arg2[%add3A_41, %dma_wait3A_44] : memref<320000x32xf32, #tpu.memory_space<hbm>> -> memref<500x32xf32, #tpu.memory_space<hbm>>
    tpu.wait_dma2 semaphore(%arg16 : memref<!tpu.dma_semaphore, #tpu.memory_space<semaphore_mem>>) src(%dma_wait3A_45 : memref<500x32xf32, #tpu.memory_space<hbm>>) dst(%arg11 : memref<500x32xf32, #tpu.memory_space<vmem>>)
    %dma_start3A_46 = arith.constant 19 : i32
    %dma_start3A_47 = arith.constant 0 : i32
    %dma_start3A_48 = tpu.memref_slice %arg9[%dma_start3A_46, %dma_start3A_47] : memref<20x500xi32, #tpu.memory_space<vmem>> -> memref<1x500xi32, #tpu.memory_space<vmem>>
    %dma_start3A_49 = tpu.memref_squeeze %dma_start3A_48 : memref<1x500xi32, #tpu.memory_space<vmem>> -> memref<500xi32, #tpu.memory_space<vmem>>
    %dma_start3A_50 = arith.constant 0 : i32
    %dma_start3A_51 = arith.constant 0 : i32
    %dma_start3A_52 = tpu.memref_slice %arg13[%dma_start3A_50, %dma_start3A_51] : memref<10240x32xf32, #tpu.memory_space<vmem_shared>> -> memref<10240x32xf32, #tpu.memory_space<vmem_shared>>
    tpu.enqueue_indirect_dma source(%arg11 : memref<500x32xf32, #tpu.memory_space<vmem>>) target(%dma_start3A_52 : memref<10240x32xf32, #tpu.memory_space<vmem_shared>>) offsets(%dma_start3A_49 : memref<500xi32, #tpu.memory_space<vmem>>) semaphore(%arg18 : memref<!tpu.dma_semaphore, #tpu.memory_space<semaphore_mem>>) {add = true}
    %dma_start3A_53 = arith.constant 19 : i32
    %dma_start3A_54 = arith.constant 0 : i32
    %dma_start3A_55 = tpu.memref_slice %arg9[%dma_start3A_53, %dma_start3A_54] : memref<20x500xi32, #tpu.memory_space<vmem>> -> memref<1x500xi32, #tpu.memory_space<vmem>>
    %dma_start3A_56 = tpu.memref_squeeze %dma_start3A_55 : memref<1x500xi32, #tpu.memory_space<vmem>> -> memref<500xi32, #tpu.memory_space<vmem>>
    %dma_start3A_57 = arith.constant 0 : i32
    %dma_start3A_58 = arith.constant 0 : i32
    %dma_start3A_59 = tpu.memref_slice %arg14[%dma_start3A_57, %dma_start3A_58] : memref<10240x16xf32, #tpu.memory_space<vmem_shared>> -> memref<10240x16xf32, #tpu.memory_space<vmem_shared>>
    tpu.enqueue_indirect_dma source(%arg12 : memref<500x16xf32, #tpu.memory_space<vmem>>) target(%dma_start3A_59 : memref<10240x16xf32, #tpu.memory_space<vmem_shared>>) offsets(%dma_start3A_56 : memref<500xi32, #tpu.memory_space<vmem>>) semaphore(%arg20 : memref<!tpu.dma_semaphore, #tpu.memory_space<semaphore_mem>>) {add = true}
    %dma_wait3A_60 = arith.constant 18 : i32
    %dma_wait3A_61 = arith.constant 0 : i32
    %dma_wait3A_62 = tpu.memref_slice %arg9[%dma_wait3A_60, %dma_wait3A_61] : memref<20x500xi32, #tpu.memory_space<vmem>> -> memref<1x500xi32, #tpu.memory_space<vmem>>
    %dma_wait3A_63 = tpu.memref_squeeze %dma_wait3A_62 : memref<1x500xi32, #tpu.memory_space<vmem>> -> memref<500xi32, #tpu.memory_space<vmem>>
    %dma_wait3A_64 = arith.constant 0 : i32
    %dma_wait3A_65 = arith.constant 0 : i32
    %dma_wait3A_66 = tpu.memref_slice %arg13[%dma_wait3A_64, %dma_wait3A_65] : memref<10240x32xf32, #tpu.memory_space<vmem_shared>> -> memref<10240x32xf32, #tpu.memory_space<vmem_shared>>
    tpu.wait_indirect_dma semaphore(%arg17 : memref<!tpu.dma_semaphore, #tpu.memory_space<semaphore_mem>>) src(%arg10 : memref<500x32xf32, #tpu.memory_space<vmem>>) dst(%dma_wait3A_66 : memref<10240x32xf32, #tpu.memory_space<vmem_shared>>)
    %dma_wait3A_67 = arith.constant 18 : i32
    %dma_wait3A_68 = arith.constant 0 : i32
    %dma_wait3A_69 = tpu.memref_slice %arg9[%dma_wait3A_67, %dma_wait3A_68] : memref<20x500xi32, #tpu.memory_space<vmem>> -> memref<1x500xi32, #tpu.memory_space<vmem>>
    %dma_wait3A_70 = tpu.memref_squeeze %dma_wait3A_69 : memref<1x500xi32, #tpu.memory_space<vmem>> -> memref<500xi32, #tpu.memory_space<vmem>>
    %dma_wait3A_71 = arith.constant 0 : i32
    %dma_wait3A_72 = arith.constant 0 : i32
    %dma_wait3A_73 = tpu.memref_slice %arg14[%dma_wait3A_71, %dma_wait3A_72] : memref<10240x16xf32, #tpu.memory_space<vmem_shared>> -> memref<10240x16xf32, #tpu.memory_space<vmem_shared>>
    tpu.wait_indirect_dma semaphore(%arg19 : memref<!tpu.dma_semaphore, #tpu.memory_space<semaphore_mem>>) src(%arg12 : memref<500x16xf32, #tpu.memory_space<vmem>>) dst(%dma_wait3A_73 : memref<10240x16xf32, #tpu.memory_space<vmem_shared>>)
    %dma_wait3A_74 = arith.constant 19 : i32
    %dma_wait3A_75 = arith.constant 0 : i32
    %dma_wait3A_76 = tpu.memref_slice %arg9[%dma_wait3A_74, %dma_wait3A_75] : memref<20x500xi32, #tpu.memory_space<vmem>> -> memref<1x500xi32, #tpu.memory_space<vmem>>
    %dma_wait3A_77 = tpu.memref_squeeze %dma_wait3A_76 : memref<1x500xi32, #tpu.memory_space<vmem>> -> memref<500xi32, #tpu.memory_space<vmem>>
    %dma_wait3A_78 = arith.constant 0 : i32
    %dma_wait3A_79 = arith.constant 0 : i32
    %dma_wait3A_80 = tpu.memref_slice %arg13[%dma_wait3A_78, %dma_wait3A_79] : memref<10240x32xf32, #tpu.memory_space<vmem_shared>> -> memref<10240x32xf32, #tpu.memory_space<vmem_shared>>
    tpu.wait_indirect_dma semaphore(%arg18 : memref<!tpu.dma_semaphore, #tpu.memory_space<semaphore_mem>>) src(%arg11 : memref<500x32xf32, #tpu.memory_space<vmem>>) dst(%dma_wait3A_80 : memref<10240x32xf32, #tpu.memory_space<vmem_shared>>)
    %dma_wait3A_81 = arith.constant 19 : i32
    %dma_wait3A_82 = arith.constant 0 : i32
    %dma_wait3A_83 = tpu.memref_slice %arg9[%dma_wait3A_81, %dma_wait3A_82] : memref<20x500xi32, #tpu.memory_space<vmem>> -> memref<1x500xi32, #tpu.memory_space<vmem>>
    %dma_wait3A_84 = tpu.memref_squeeze %dma_wait3A_83 : memref<1x500xi32, #tpu.memory_space<vmem>> -> memref<500xi32, #tpu.memory_space<vmem>>
    %dma_wait3A_85 = arith.constant 0 : i32
    %dma_wait3A_86 = arith.constant 0 : i32
    %dma_wait3A_87 = tpu.memref_slice %arg14[%dma_wait3A_85, %dma_wait3A_86] : memref<10240x16xf32, #tpu.memory_space<vmem_shared>> -> memref<10240x16xf32, #tpu.memory_space<vmem_shared>>
    tpu.wait_indirect_dma semaphore(%arg20 : memref<!tpu.dma_semaphore, #tpu.memory_space<semaphore_mem>>) src(%arg12 : memref<500x16xf32, #tpu.memory_space<vmem>>) dst(%dma_wait3A_87 : memref<10240x16xf32, #tpu.memory_space<vmem_shared>>)
    %barrier3A_88 = arith.constant 0 : index
    tpu.barrier barrier_id(%barrier3A_88)
    "tpu.region"() ({
      %run_scoped3A = tpu.sem_alloc : memref<!tpu.dma_semaphore, #tpu.memory_space<semaphore_mem>>
      %dma_start3A_89 = arith.constant 0 : i32
      %dma_start3A_90 = tpu.memref_slice %arg7[%arg0, %mul3A_2, %dma_start3A_89] : memref<2x10240x32xf32, #tpu.memory_space<hbm>> -> memref<1x640x32xf32, #tpu.memory_space<hbm>>
      %dma_start3A_91 = tpu.memref_squeeze %dma_start3A_90 : memref<1x640x32xf32, #tpu.memory_space<hbm>> -> memref<640x32xf32, #tpu.memory_space<hbm>>
      %dma_start3A_92 = arith.constant 0 : i32
      %dma_start3A_93 = tpu.memref_slice %arg13[%mul3A_2, %dma_start3A_92] : memref<10240x32xf32, #tpu.memory_space<vmem_shared>> -> memref<640x32xf32, #tpu.memory_space<vmem_shared>>
      tpu.enqueue_dma source(%dma_start3A_93 : memref<640x32xf32, #tpu.memory_space<vmem_shared>>) target(%dma_start3A_91 : memref<640x32xf32, #tpu.memory_space<hbm>>) target_semaphore(%run_scoped3A : memref<!tpu.dma_semaphore, #tpu.memory_space<semaphore_mem>>)
      %dma_wait3A_94 = arith.constant 0 : i32
      %dma_wait3A_95 = tpu.memref_slice %arg7[%arg0, %mul3A_2, %dma_wait3A_94] : memref<2x10240x32xf32, #tpu.memory_space<hbm>> -> memref<1x640x32xf32, #tpu.memory_space<hbm>>
      %dma_wait3A_96 = tpu.memref_squeeze %dma_wait3A_95 : memref<1x640x32xf32, #tpu.memory_space<hbm>> -> memref<640x32xf32, #tpu.memory_space<hbm>>
      %dma_wait3A_97 = arith.constant 0 : i32
      %dma_wait3A_98 = tpu.memref_slice %arg13[%mul3A_2, %dma_wait3A_97] : memref<10240x32xf32, #tpu.memory_space<vmem_shared>> -> memref<640x32xf32, #tpu.memory_space<vmem_shared>>
      tpu.wait_dma2 semaphore(%run_scoped3A : memref<!tpu.dma_semaphore, #tpu.memory_space<semaphore_mem>>) src(%dma_wait3A_98 : memref<640x32xf32, #tpu.memory_space<vmem_shared>>) dst(%dma_wait3A_96 : memref<640x32xf32, #tpu.memory_space<hbm>>)
      tpu.yield
    }) : () -> ()
    "tpu.region"() ({
      %run_scoped3A = tpu.sem_alloc : memref<!tpu.dma_semaphore, #tpu.memory_space<semaphore_mem>>
      %dma_start3A_89 = arith.constant 0 : i32
      %dma_start3A_90 = tpu.memref_slice %arg8[%arg0, %mul3A_2, %dma_start3A_89] : memref<2x10240x16xf32, #tpu.memory_space<hbm>> -> memref<1x640x16xf32, #tpu.memory_space<hbm>>
      %dma_start3A_91 = tpu.memref_squeeze %dma_start3A_90 : memref<1x640x16xf32, #tpu.memory_space<hbm>> -> memref<640x16xf32, #tpu.memory_space<hbm>>
      %dma_start3A_92 = arith.constant 0 : i32
      %dma_start3A_93 = tpu.memref_slice %arg14[%mul3A_2, %dma_start3A_92] : memref<10240x16xf32, #tpu.memory_space<vmem_shared>> -> memref<640x16xf32, #tpu.memory_space<vmem_shared>>
      tpu.enqueue_dma source(%dma_start3A_93 : memref<640x16xf32, #tpu.memory_space<vmem_shared>>) target(%dma_start3A_91 : memref<640x16xf32, #tpu.memory_space<hbm>>) target_semaphore(%run_scoped3A : memref<!tpu.dma_semaphore, #tpu.memory_space<semaphore_mem>>)
      %dma_wait3A_94 = arith.constant 0 : i32
      %dma_wait3A_95 = tpu.memref_slice %arg8[%arg0, %mul3A_2, %dma_wait3A_94] : memref<2x10240x16xf32, #tpu.memory_space<hbm>> -> memref<1x640x16xf32, #tpu.memory_space<hbm>>
      %dma_wait3A_96 = tpu.memref_squeeze %dma_wait3A_95 : memref<1x640x16xf32, #tpu.memory_space<hbm>> -> memref<640x16xf32, #tpu.memory_space<hbm>>
      %dma_wait3A_97 = arith.constant 0 : i32
      %dma_wait3A_98 = tpu.memref_slice %arg14[%mul3A_2, %dma_wait3A_97] : memref<10240x16xf32, #tpu.memory_space<vmem_shared>> -> memref<640x16xf32, #tpu.memory_space<vmem_shared>>
      tpu.wait_dma2 semaphore(%run_scoped3A : memref<!tpu.dma_semaphore, #tpu.memory_space<semaphore_mem>>) src(%dma_wait3A_98 : memref<640x16xf32, #tpu.memory_space<vmem_shared>>) dst(%dma_wait3A_96 : memref<640x16xf32, #tpu.memory_space<hbm>>)
      tpu.yield
    }) : () -> ()
    return
  }
}

#map = affine_map<(d0, d1) -> (0, 0)>
#map1 = affine_map<(d0, d1) -> (0, 0, 0)>
module attributes {stable_mosaic.version = 14 : i64} {
  func.func @k(%arg0: i32, %arg1: i32, %arg2: memref<10000x128xf32, #tpu.memory_space<hbm>>, %arg3: memref<32x20x500xi32, #tpu.memory_space<hbm>>, %arg4: memref<32x20x500xi32, #tpu.memory_space<hbm>>, %arg5: memref<320000x32xf32, #tpu.memory_space<hbm>>, %arg6: memref<320000x32xf32, #tpu.memory_space<hbm>>, %arg7: memref<20x500xi32, #tpu.memory_space<vmem>>, %arg8: memref<20x500xi32, #tpu.memory_space<vmem>>, %arg9: memref<500x32xf32, #tpu.memory_space<vmem>>, %arg10: memref<500x32xf32, #tpu.memory_space<vmem>>, %arg11: memref<500x32xf32, #tpu.memory_space<vmem>>, %arg12: memref<500x32xf32, #tpu.memory_space<vmem>>, %arg13: memref<10000x32xf32, #tpu.memory_space<vmem_shared>>, %arg14: memref<10000x32xf32, #tpu.memory_space<vmem_shared>>, %arg15: memref<!tpu.dma_semaphore, #tpu.memory_space<semaphore_mem>>, %arg16: memref<!tpu.dma_semaphore, #tpu.memory_space<semaphore_mem>>, %arg17: memref<!tpu.dma_semaphore, #tpu.memory_space<semaphore_mem>>, %arg18: memref<!tpu.dma_semaphore, #tpu.memory_space<semaphore_mem>>, %arg19: memref<!tpu.dma_semaphore, #tpu.memory_space<semaphore_mem>>, %arg20: memref<!tpu.dma_semaphore, #tpu.memory_space<semaphore_mem>>, %arg21: memref<!tpu.dma_semaphore, #tpu.memory_space<semaphore_mem>>, %arg22: memref<!tpu.dma_semaphore, #tpu.memory_space<semaphore_mem>>) attributes {dimension_semantics = [#tpu.dimension_semantics<core_parallel>, #tpu.dimension_semantics<subcore_parallel>], iteration_bounds = array<i64: 2, 16>, scalar_prefetch = 0 : i64, scratch_operands = 16 : i64, tpu.core_type = #tpu.core_type<sc_vector_subcore>, window_params = [{transform_indices = #map}, {transform_indices = #map1}, {transform_indices = #map1}, {transform_indices = #map}, {transform_indices = #map}]} {
    %mul3A = arith.constant 16 : i32
    %mul3A_0 = arith.muli %arg0, %mul3A : i32
    %add3A = arith.addi %mul3A_0, %arg1 : i32
    "tpu.region"() ({
      %run_scoped3A = tpu.sem_alloc : memref<!tpu.dma_semaphore, #tpu.memory_space<semaphore_mem>>
      %dma_start3A_112 = arith.constant 0 : i32
      %dma_start3A_113 = arith.constant 0 : i32
      %dma_start3A_114 = tpu.memref_slice %arg3[%add3A, %dma_start3A_112, %dma_start3A_113] : memref<32x20x500xi32, #tpu.memory_space<hbm>> -> memref<1x20x500xi32, #tpu.memory_space<hbm>>
      %dma_start3A_115 = tpu.memref_squeeze %dma_start3A_114 : memref<1x20x500xi32, #tpu.memory_space<hbm>> -> memref<20x500xi32, #tpu.memory_space<hbm>>
      %dma_start3A_116 = arith.constant 0 : i32
      %dma_start3A_117 = arith.constant 0 : i32
      %dma_start3A_118 = tpu.memref_slice %arg3[%add3A, %dma_start3A_116, %dma_start3A_117] : memref<32x20x500xi32, #tpu.memory_space<hbm>> -> memref<1x20x500xi32, #tpu.memory_space<hbm>>
      %dma_start3A_119 = tpu.memref_squeeze %dma_start3A_118 : memref<1x20x500xi32, #tpu.memory_space<hbm>> -> memref<20x500xi32, #tpu.memory_space<hbm>>
      tpu.enqueue_dma source(%dma_start3A_119 : memref<20x500xi32, #tpu.memory_space<hbm>>) target(%arg7 : memref<20x500xi32, #tpu.memory_space<vmem>>) target_semaphore(%run_scoped3A : memref<!tpu.dma_semaphore, #tpu.memory_space<semaphore_mem>>)
      %dma_wait3A_120 = arith.constant 0 : i32
      %dma_wait3A_121 = arith.constant 0 : i32
      %dma_wait3A_122 = tpu.memref_slice %arg3[%add3A, %dma_wait3A_120, %dma_wait3A_121] : memref<32x20x500xi32, #tpu.memory_space<hbm>> -> memref<1x20x500xi32, #tpu.memory_space<hbm>>
      %dma_wait3A_123 = tpu.memref_squeeze %dma_wait3A_122 : memref<1x20x500xi32, #tpu.memory_space<hbm>> -> memref<20x500xi32, #tpu.memory_space<hbm>>
      %dma_wait3A_124 = arith.constant 0 : i32
      %dma_wait3A_125 = arith.constant 0 : i32
      %dma_wait3A_126 = tpu.memref_slice %arg3[%add3A, %dma_wait3A_124, %dma_wait3A_125] : memref<32x20x500xi32, #tpu.memory_space<hbm>> -> memref<1x20x500xi32, #tpu.memory_space<hbm>>
      %dma_wait3A_127 = tpu.memref_squeeze %dma_wait3A_126 : memref<1x20x500xi32, #tpu.memory_space<hbm>> -> memref<20x500xi32, #tpu.memory_space<hbm>>
      tpu.wait_dma2 semaphore(%run_scoped3A : memref<!tpu.dma_semaphore, #tpu.memory_space<semaphore_mem>>) src(%dma_wait3A_127 : memref<20x500xi32, #tpu.memory_space<hbm>>) dst(%arg7 : memref<20x500xi32, #tpu.memory_space<vmem>>)
      tpu.yield
    }) : () -> ()
    "tpu.region"() ({
      %run_scoped3A = tpu.sem_alloc : memref<!tpu.dma_semaphore, #tpu.memory_space<semaphore_mem>>
      %dma_start3A_112 = arith.constant 0 : i32
      %dma_start3A_113 = arith.constant 0 : i32
      %dma_start3A_114 = tpu.memref_slice %arg4[%add3A, %dma_start3A_112, %dma_start3A_113] : memref<32x20x500xi32, #tpu.memory_space<hbm>> -> memref<1x20x500xi32, #tpu.memory_space<hbm>>
      %dma_start3A_115 = tpu.memref_squeeze %dma_start3A_114 : memref<1x20x500xi32, #tpu.memory_space<hbm>> -> memref<20x500xi32, #tpu.memory_space<hbm>>
      %dma_start3A_116 = arith.constant 0 : i32
      %dma_start3A_117 = arith.constant 0 : i32
      %dma_start3A_118 = tpu.memref_slice %arg4[%add3A, %dma_start3A_116, %dma_start3A_117] : memref<32x20x500xi32, #tpu.memory_space<hbm>> -> memref<1x20x500xi32, #tpu.memory_space<hbm>>
      %dma_start3A_119 = tpu.memref_squeeze %dma_start3A_118 : memref<1x20x500xi32, #tpu.memory_space<hbm>> -> memref<20x500xi32, #tpu.memory_space<hbm>>
      tpu.enqueue_dma source(%dma_start3A_119 : memref<20x500xi32, #tpu.memory_space<hbm>>) target(%arg8 : memref<20x500xi32, #tpu.memory_space<vmem>>) target_semaphore(%run_scoped3A : memref<!tpu.dma_semaphore, #tpu.memory_space<semaphore_mem>>)
      %dma_wait3A_120 = arith.constant 0 : i32
      %dma_wait3A_121 = arith.constant 0 : i32
      %dma_wait3A_122 = tpu.memref_slice %arg4[%add3A, %dma_wait3A_120, %dma_wait3A_121] : memref<32x20x500xi32, #tpu.memory_space<hbm>> -> memref<1x20x500xi32, #tpu.memory_space<hbm>>
      %dma_wait3A_123 = tpu.memref_squeeze %dma_wait3A_122 : memref<1x20x500xi32, #tpu.memory_space<hbm>> -> memref<20x500xi32, #tpu.memory_space<hbm>>
      %dma_wait3A_124 = arith.constant 0 : i32
      %dma_wait3A_125 = arith.constant 0 : i32
      %dma_wait3A_126 = tpu.memref_slice %arg4[%add3A, %dma_wait3A_124, %dma_wait3A_125] : memref<32x20x500xi32, #tpu.memory_space<hbm>> -> memref<1x20x500xi32, #tpu.memory_space<hbm>>
      %dma_wait3A_127 = tpu.memref_squeeze %dma_wait3A_126 : memref<1x20x500xi32, #tpu.memory_space<hbm>> -> memref<20x500xi32, #tpu.memory_space<hbm>>
      tpu.wait_dma2 semaphore(%run_scoped3A : memref<!tpu.dma_semaphore, #tpu.memory_space<semaphore_mem>>) src(%dma_wait3A_127 : memref<20x500xi32, #tpu.memory_space<hbm>>) dst(%arg8 : memref<20x500xi32, #tpu.memory_space<vmem>>)
      tpu.yield
    }) : () -> ()
    %eq3A = arith.constant 0 : i32
    %eq3A_1 = arith.cmpi eq, %arg1, %eq3A : i32
    %convert_element_type3A = arith.extui %eq3A_1 : i1 to i32
    %cond3A = arith.constant 0 : i32
    %cond3A_2 = arith.cmpi ne, %convert_element_type3A, %cond3A : i32
    scf.if %cond3A_2 {
      "tpu.region"() ({
        %run_scoped3A = tpu.sem_alloc : memref<!tpu.dma_semaphore, #tpu.memory_space<semaphore_mem>>
        %dma_start3A_112 = arith.constant 0 : i32
        %dma_start3A_113 = arith.constant 0 : i32
        %dma_start3A_114 = tpu.memref_slice %arg2[%dma_start3A_112, %dma_start3A_113] : memref<10000x128xf32, #tpu.memory_space<hbm>> -> memref<10000x32xf32, #tpu.memory_space<hbm>>
        tpu.enqueue_dma source(%dma_start3A_114 : memref<10000x32xf32, #tpu.memory_space<hbm>>) target(%arg13 : memref<10000x32xf32, #tpu.memory_space<vmem_shared>>) target_semaphore(%run_scoped3A : memref<!tpu.dma_semaphore, #tpu.memory_space<semaphore_mem>>)
        %dma_wait3A_115 = arith.constant 0 : i32
        %dma_wait3A_116 = arith.constant 0 : i32
        %dma_wait3A_117 = tpu.memref_slice %arg2[%dma_wait3A_115, %dma_wait3A_116] : memref<10000x128xf32, #tpu.memory_space<hbm>> -> memref<10000x32xf32, #tpu.memory_space<hbm>>
        tpu.wait_dma2 semaphore(%run_scoped3A : memref<!tpu.dma_semaphore, #tpu.memory_space<semaphore_mem>>) src(%dma_wait3A_117 : memref<10000x32xf32, #tpu.memory_space<hbm>>) dst(%arg13 : memref<10000x32xf32, #tpu.memory_space<vmem_shared>>)
        tpu.yield
      }) : () -> ()
      "tpu.region"() ({
        %run_scoped3A = tpu.sem_alloc : memref<!tpu.dma_semaphore, #tpu.memory_space<semaphore_mem>>
        %dma_start3A_112 = arith.constant 0 : i32
        %dma_start3A_113 = arith.constant 32 : i32
        %dma_start3A_114 = tpu.memref_slice %arg2[%dma_start3A_112, %dma_start3A_113] : memref<10000x128xf32, #tpu.memory_space<hbm>> -> memref<10000x32xf32, #tpu.memory_space<hbm>>
        tpu.enqueue_dma source(%dma_start3A_114 : memref<10000x32xf32, #tpu.memory_space<hbm>>) target(%arg14 : memref<10000x32xf32, #tpu.memory_space<vmem_shared>>) target_semaphore(%run_scoped3A : memref<!tpu.dma_semaphore, #tpu.memory_space<semaphore_mem>>)
        %dma_wait3A_115 = arith.constant 0 : i32
        %dma_wait3A_116 = arith.constant 32 : i32
        %dma_wait3A_117 = tpu.memref_slice %arg2[%dma_wait3A_115, %dma_wait3A_116] : memref<10000x128xf32, #tpu.memory_space<hbm>> -> memref<10000x32xf32, #tpu.memory_space<hbm>>
        tpu.wait_dma2 semaphore(%run_scoped3A : memref<!tpu.dma_semaphore, #tpu.memory_space<semaphore_mem>>) src(%dma_wait3A_117 : memref<10000x32xf32, #tpu.memory_space<hbm>>) dst(%arg14 : memref<10000x32xf32, #tpu.memory_space<vmem_shared>>)
        tpu.yield
      }) : () -> ()
    } else {
    }
    %barrier3A = arith.constant 0 : index
    tpu.barrier barrier_id(%barrier3A)
    %mul3A_3 = arith.constant 10000 : i32
    %mul3A_4 = arith.muli %add3A, %mul3A_3 : i32
    %dma_start3A = arith.constant 0 : i32
    %dma_start3A_5 = arith.constant 0 : i32
    %dma_start3A_6 = tpu.memref_slice %arg7[%dma_start3A, %dma_start3A_5] : memref<20x500xi32, #tpu.memory_space<vmem>> -> memref<1x500xi32, #tpu.memory_space<vmem>>
    %dma_start3A_7 = tpu.memref_squeeze %dma_start3A_6 : memref<1x500xi32, #tpu.memory_space<vmem>> -> memref<500xi32, #tpu.memory_space<vmem>>
    %dma_start3A_8 = arith.constant 0 : i32
    %dma_start3A_9 = arith.constant 0 : i32
    %dma_start3A_10 = tpu.memref_slice %arg13[%dma_start3A_8, %dma_start3A_9] : memref<10000x32xf32, #tpu.memory_space<vmem_shared>> -> memref<10000x32xf32, #tpu.memory_space<vmem_shared>>
    tpu.enqueue_indirect_dma source(%dma_start3A_10 : memref<10000x32xf32, #tpu.memory_space<vmem_shared>>) target(%arg9 : memref<500x32xf32, #tpu.memory_space<vmem>>) offsets(%dma_start3A_7 : memref<500xi32, #tpu.memory_space<vmem>>) semaphore(%arg15 : memref<!tpu.dma_semaphore, #tpu.memory_space<semaphore_mem>>)
    %dma_start3A_11 = arith.constant 0 : i32
    %dma_start3A_12 = arith.constant 0 : i32
    %dma_start3A_13 = tpu.memref_slice %arg8[%dma_start3A_11, %dma_start3A_12] : memref<20x500xi32, #tpu.memory_space<vmem>> -> memref<1x500xi32, #tpu.memory_space<vmem>>
    %dma_start3A_14 = tpu.memref_squeeze %dma_start3A_13 : memref<1x500xi32, #tpu.memory_space<vmem>> -> memref<500xi32, #tpu.memory_space<vmem>>
    %dma_start3A_15 = arith.constant 0 : i32
    %dma_start3A_16 = arith.constant 0 : i32
    %dma_start3A_17 = tpu.memref_slice %arg14[%dma_start3A_15, %dma_start3A_16] : memref<10000x32xf32, #tpu.memory_space<vmem_shared>> -> memref<10000x32xf32, #tpu.memory_space<vmem_shared>>
    tpu.enqueue_indirect_dma source(%dma_start3A_17 : memref<10000x32xf32, #tpu.memory_space<vmem_shared>>) target(%arg11 : memref<500x32xf32, #tpu.memory_space<vmem>>) offsets(%dma_start3A_14 : memref<500xi32, #tpu.memory_space<vmem>>) semaphore(%arg17 : memref<!tpu.dma_semaphore, #tpu.memory_space<semaphore_mem>>)
    %dma_wait3A = arith.constant 0 : i32
    %dma_wait3A_18 = arith.constant 0 : i32
    %dma_wait3A_19 = tpu.memref_slice %arg7[%dma_wait3A, %dma_wait3A_18] : memref<20x500xi32, #tpu.memory_space<vmem>> -> memref<1x500xi32, #tpu.memory_space<vmem>>
    %dma_wait3A_20 = tpu.memref_squeeze %dma_wait3A_19 : memref<1x500xi32, #tpu.memory_space<vmem>> -> memref<500xi32, #tpu.memory_space<vmem>>
    %dma_wait3A_21 = arith.constant 0 : i32
    %dma_wait3A_22 = arith.constant 0 : i32
    %dma_wait3A_23 = tpu.memref_slice %arg13[%dma_wait3A_21, %dma_wait3A_22] : memref<10000x32xf32, #tpu.memory_space<vmem_shared>> -> memref<10000x32xf32, #tpu.memory_space<vmem_shared>>
    tpu.wait_indirect_dma semaphore(%arg15 : memref<!tpu.dma_semaphore, #tpu.memory_space<semaphore_mem>>) src(%dma_wait3A_23 : memref<10000x32xf32, #tpu.memory_space<vmem_shared>>) dst(%arg9 : memref<500x32xf32, #tpu.memory_space<vmem>>)
    %dma_wait3A_24 = arith.constant 0 : i32
    %dma_wait3A_25 = arith.constant 0 : i32
    %dma_wait3A_26 = tpu.memref_slice %arg8[%dma_wait3A_24, %dma_wait3A_25] : memref<20x500xi32, #tpu.memory_space<vmem>> -> memref<1x500xi32, #tpu.memory_space<vmem>>
    %dma_wait3A_27 = tpu.memref_squeeze %dma_wait3A_26 : memref<1x500xi32, #tpu.memory_space<vmem>> -> memref<500xi32, #tpu.memory_space<vmem>>
    %dma_wait3A_28 = arith.constant 0 : i32
    %dma_wait3A_29 = arith.constant 0 : i32
    %dma_wait3A_30 = tpu.memref_slice %arg14[%dma_wait3A_28, %dma_wait3A_29] : memref<10000x32xf32, #tpu.memory_space<vmem_shared>> -> memref<10000x32xf32, #tpu.memory_space<vmem_shared>>
    tpu.wait_indirect_dma semaphore(%arg17 : memref<!tpu.dma_semaphore, #tpu.memory_space<semaphore_mem>>) src(%dma_wait3A_30 : memref<10000x32xf32, #tpu.memory_space<vmem_shared>>) dst(%arg11 : memref<500x32xf32, #tpu.memory_space<vmem>>)
    %add3A_31 = arith.constant 0 : i32
    %add3A_32 = arith.addi %mul3A_4, %add3A_31 : i32
    %dma_start3A_33 = arith.constant 0 : i32
    %dma_start3A_34 = tpu.memref_slice %arg5[%add3A_32, %dma_start3A_33] : memref<320000x32xf32, #tpu.memory_space<hbm>> -> memref<500x32xf32, #tpu.memory_space<hbm>>
    %dma_start3A_35 = arith.constant 0 : i32
    %dma_start3A_36 = tpu.memref_slice %arg5[%add3A_32, %dma_start3A_35] : memref<320000x32xf32, #tpu.memory_space<hbm>> -> memref<500x32xf32, #tpu.memory_space<hbm>>
    tpu.enqueue_dma source(%arg9 : memref<500x32xf32, #tpu.memory_space<vmem>>) target(%dma_start3A_36 : memref<500x32xf32, #tpu.memory_space<hbm>>) target_semaphore(%arg19 : memref<!tpu.dma_semaphore, #tpu.memory_space<semaphore_mem>>)
    %add3A_37 = arith.constant 0 : i32
    %add3A_38 = arith.addi %mul3A_4, %add3A_37 : i32
    %dma_start3A_39 = arith.constant 0 : i32
    %dma_start3A_40 = tpu.memref_slice %arg6[%add3A_38, %dma_start3A_39] : memref<320000x32xf32, #tpu.memory_space<hbm>> -> memref<500x32xf32, #tpu.memory_space<hbm>>
    %dma_start3A_41 = arith.constant 0 : i32
    %dma_start3A_42 = tpu.memref_slice %arg6[%add3A_38, %dma_start3A_41] : memref<320000x32xf32, #tpu.memory_space<hbm>> -> memref<500x32xf32, #tpu.memory_space<hbm>>
    tpu.enqueue_dma source(%arg11 : memref<500x32xf32, #tpu.memory_space<vmem>>) target(%dma_start3A_42 : memref<500x32xf32, #tpu.memory_space<hbm>>) target_semaphore(%arg21 : memref<!tpu.dma_semaphore, #tpu.memory_space<semaphore_mem>>)
    %dma_start3A_43 = arith.constant 1 : i32
    %dma_start3A_44 = arith.constant 0 : i32
    %dma_start3A_45 = tpu.memref_slice %arg7[%dma_start3A_43, %dma_start3A_44] : memref<20x500xi32, #tpu.memory_space<vmem>> -> memref<1x500xi32, #tpu.memory_space<vmem>>
    %dma_start3A_46 = tpu.memref_squeeze %dma_start3A_45 : memref<1x500xi32, #tpu.memory_space<vmem>> -> memref<500xi32, #tpu.memory_space<vmem>>
    %dma_start3A_47 = arith.constant 0 : i32
    %dma_start3A_48 = arith.constant 0 : i32
    %dma_start3A_49 = tpu.memref_slice %arg13[%dma_start3A_47, %dma_start3A_48] : memref<10000x32xf32, #tpu.memory_space<vmem_shared>> -> memref<10000x32xf32, #tpu.memory_space<vmem_shared>>
    tpu.enqueue_indirect_dma source(%dma_start3A_49 : memref<10000x32xf32, #tpu.memory_space<vmem_shared>>) target(%arg10 : memref<500x32xf32, #tpu.memory_space<vmem>>) offsets(%dma_start3A_46 : memref<500xi32, #tpu.memory_space<vmem>>) semaphore(%arg16 : memref<!tpu.dma_semaphore, #tpu.memory_space<semaphore_mem>>)
    %dma_start3A_50 = arith.constant 1 : i32
    %dma_start3A_51 = arith.constant 0 : i32
    %dma_start3A_52 = tpu.memref_slice %arg8[%dma_start3A_50, %dma_start3A_51] : memref<20x500xi32, #tpu.memory_space<vmem>> -> memref<1x500xi32, #tpu.memory_space<vmem>>
    %dma_start3A_53 = tpu.memref_squeeze %dma_start3A_52 : memref<1x500xi32, #tpu.memory_space<vmem>> -> memref<500xi32, #tpu.memory_space<vmem>>
    %dma_start3A_54 = arith.constant 0 : i32
    %dma_start3A_55 = arith.constant 0 : i32
    %dma_start3A_56 = tpu.memref_slice %arg14[%dma_start3A_54, %dma_start3A_55] : memref<10000x32xf32, #tpu.memory_space<vmem_shared>> -> memref<10000x32xf32, #tpu.memory_space<vmem_shared>>
    tpu.enqueue_indirect_dma source(%dma_start3A_56 : memref<10000x32xf32, #tpu.memory_space<vmem_shared>>) target(%arg12 : memref<500x32xf32, #tpu.memory_space<vmem>>) offsets(%dma_start3A_53 : memref<500xi32, #tpu.memory_space<vmem>>) semaphore(%arg18 : memref<!tpu.dma_semaphore, #tpu.memory_space<semaphore_mem>>)
    %scan3A = arith.constant 0 : i32
    %scan3A_57 = arith.constant 1 : i32
    %scan3A_58 = arith.constant 18 : i32
    %scan3A_59 = arith.addi %scan3A_57, %scan3A_58 : i32
    %scan3A_60 = arith.constant 1 : i32
    scf.for %scan3A_112 = %scan3A_57 to %scan3A_59 step %scan3A_60  : i32 {
      %jit3A = arith.constant 2 : i32
      %eq3A_113 = arith.constant 0 : i32
      %eq3A_114 = arith.cmpi eq, %jit3A, %eq3A_113 : i32
      %jit3A_115 = arith.constant 1 : i32
      %select_n3A = arith.select %eq3A_114, %jit3A_115, %jit3A : i32
      %rem3A = arith.remsi %scan3A_112, %select_n3A : i32
      %ne3A = arith.constant 0 : i32
      %ne3A_116 = arith.cmpi ne, %rem3A, %ne3A : i32
      %lt3A = arith.constant 0 : i32
      %lt3A_117 = arith.cmpi slt, %rem3A, %lt3A : i32
      %lt3A_118 = arith.constant 0 : i32
      %lt3A_119 = arith.cmpi slt, %select_n3A, %lt3A_118 : i32
      %ne3A_120 = arith.xori %lt3A_117, %lt3A_119 : i1
      %and3A = arith.andi %ne3A_120, %ne3A_116 : i1
      %add3A_121 = arith.addi %rem3A, %select_n3A : i32
      %select_n3A_122 = arith.select %and3A, %add3A_121, %rem3A : i32
      %eq3A_123 = arith.constant 0 : i32
      %eq3A_124 = arith.cmpi eq, %select_n3A_122, %eq3A_123 : i32
      %convert_element_type3A_125 = arith.extui %eq3A_124 : i1 to i32
      %cond3A_126 = arith.constant 0 : i32
      %cond3A_127 = arith.cmpi ne, %convert_element_type3A_125, %cond3A_126 : i32
      scf.if %cond3A_127 {
        %dma_wait3A_149 = arith.constant 0 : i32
        %dma_wait3A_150 = tpu.memref_slice %arg7[%scan3A_112, %dma_wait3A_149] : memref<20x500xi32, #tpu.memory_space<vmem>> -> memref<1x500xi32, #tpu.memory_space<vmem>>
        %dma_wait3A_151 = tpu.memref_squeeze %dma_wait3A_150 : memref<1x500xi32, #tpu.memory_space<vmem>> -> memref<500xi32, #tpu.memory_space<vmem>>
        %dma_wait3A_152 = arith.constant 0 : i32
        %dma_wait3A_153 = arith.constant 0 : i32
        %dma_wait3A_154 = tpu.memref_slice %arg13[%dma_wait3A_152, %dma_wait3A_153] : memref<10000x32xf32, #tpu.memory_space<vmem_shared>> -> memref<10000x32xf32, #tpu.memory_space<vmem_shared>>
        tpu.wait_indirect_dma semaphore(%arg15 : memref<!tpu.dma_semaphore, #tpu.memory_space<semaphore_mem>>) src(%dma_wait3A_154 : memref<10000x32xf32, #tpu.memory_space<vmem_shared>>) dst(%arg9 : memref<500x32xf32, #tpu.memory_space<vmem>>)
        %dma_wait3A_155 = arith.constant 0 : i32
        %dma_wait3A_156 = tpu.memref_slice %arg8[%scan3A_112, %dma_wait3A_155] : memref<20x500xi32, #tpu.memory_space<vmem>> -> memref<1x500xi32, #tpu.memory_space<vmem>>
        %dma_wait3A_157 = tpu.memref_squeeze %dma_wait3A_156 : memref<1x500xi32, #tpu.memory_space<vmem>> -> memref<500xi32, #tpu.memory_space<vmem>>
        %dma_wait3A_158 = arith.constant 0 : i32
        %dma_wait3A_159 = arith.constant 0 : i32
        %dma_wait3A_160 = tpu.memref_slice %arg14[%dma_wait3A_158, %dma_wait3A_159] : memref<10000x32xf32, #tpu.memory_space<vmem_shared>> -> memref<10000x32xf32, #tpu.memory_space<vmem_shared>>
        tpu.wait_indirect_dma semaphore(%arg17 : memref<!tpu.dma_semaphore, #tpu.memory_space<semaphore_mem>>) src(%dma_wait3A_160 : memref<10000x32xf32, #tpu.memory_space<vmem_shared>>) dst(%arg11 : memref<500x32xf32, #tpu.memory_space<vmem>>)
        %mul3A_161 = arith.constant 500 : i32
        %mul3A_162 = arith.muli %scan3A_112, %mul3A_161 : i32
        %add3A_163 = arith.addi %mul3A_4, %mul3A_162 : i32
        %dma_start3A_164 = arith.constant 0 : i32
        %dma_start3A_165 = tpu.memref_slice %arg5[%add3A_163, %dma_start3A_164] : memref<320000x32xf32, #tpu.memory_space<hbm>> -> memref<500x32xf32, #tpu.memory_space<hbm>>
        %dma_start3A_166 = arith.constant 0 : i32
        %dma_start3A_167 = tpu.memref_slice %arg5[%add3A_163, %dma_start3A_166] : memref<320000x32xf32, #tpu.memory_space<hbm>> -> memref<500x32xf32, #tpu.memory_space<hbm>>
        tpu.enqueue_dma source(%arg9 : memref<500x32xf32, #tpu.memory_space<vmem>>) target(%dma_start3A_167 : memref<500x32xf32, #tpu.memory_space<hbm>>) target_semaphore(%arg19 : memref<!tpu.dma_semaphore, #tpu.memory_space<semaphore_mem>>)
        %mul3A_168 = arith.constant 500 : i32
        %mul3A_169 = arith.muli %scan3A_112, %mul3A_168 : i32
        %add3A_170 = arith.addi %mul3A_4, %mul3A_169 : i32
        %dma_start3A_171 = arith.constant 0 : i32
        %dma_start3A_172 = tpu.memref_slice %arg6[%add3A_170, %dma_start3A_171] : memref<320000x32xf32, #tpu.memory_space<hbm>> -> memref<500x32xf32, #tpu.memory_space<hbm>>
        %dma_start3A_173 = arith.constant 0 : i32
        %dma_start3A_174 = tpu.memref_slice %arg6[%add3A_170, %dma_start3A_173] : memref<320000x32xf32, #tpu.memory_space<hbm>> -> memref<500x32xf32, #tpu.memory_space<hbm>>
        tpu.enqueue_dma source(%arg11 : memref<500x32xf32, #tpu.memory_space<vmem>>) target(%dma_start3A_174 : memref<500x32xf32, #tpu.memory_space<hbm>>) target_semaphore(%arg21 : memref<!tpu.dma_semaphore, #tpu.memory_space<semaphore_mem>>)
        %sub3A = arith.constant 1 : i32
        %sub3A_175 = arith.subi %scan3A_112, %sub3A : i32
        %mul3A_176 = arith.constant 500 : i32
        %mul3A_177 = arith.muli %sub3A_175, %mul3A_176 : i32
        %add3A_178 = arith.addi %mul3A_4, %mul3A_177 : i32
        %dma_wait3A_179 = arith.constant 0 : i32
        %dma_wait3A_180 = tpu.memref_slice %arg5[%add3A_178, %dma_wait3A_179] : memref<320000x32xf32, #tpu.memory_space<hbm>> -> memref<500x32xf32, #tpu.memory_space<hbm>>
        %dma_wait3A_181 = arith.constant 0 : i32
        %dma_wait3A_182 = tpu.memref_slice %arg5[%add3A_178, %dma_wait3A_181] : memref<320000x32xf32, #tpu.memory_space<hbm>> -> memref<500x32xf32, #tpu.memory_space<hbm>>
        tpu.wait_dma2 semaphore(%arg20 : memref<!tpu.dma_semaphore, #tpu.memory_space<semaphore_mem>>) src(%arg10 : memref<500x32xf32, #tpu.memory_space<vmem>>) dst(%dma_wait3A_182 : memref<500x32xf32, #tpu.memory_space<hbm>>)
        %mul3A_183 = arith.constant 500 : i32
        %mul3A_184 = arith.muli %sub3A_175, %mul3A_183 : i32
        %add3A_185 = arith.addi %mul3A_4, %mul3A_184 : i32
        %dma_wait3A_186 = arith.constant 0 : i32
        %dma_wait3A_187 = tpu.memref_slice %arg6[%add3A_185, %dma_wait3A_186] : memref<320000x32xf32, #tpu.memory_space<hbm>> -> memref<500x32xf32, #tpu.memory_space<hbm>>
        %dma_wait3A_188 = arith.constant 0 : i32
        %dma_wait3A_189 = tpu.memref_slice %arg6[%add3A_185, %dma_wait3A_188] : memref<320000x32xf32, #tpu.memory_space<hbm>> -> memref<500x32xf32, #tpu.memory_space<hbm>>
        tpu.wait_dma2 semaphore(%arg22 : memref<!tpu.dma_semaphore, #tpu.memory_space<semaphore_mem>>) src(%arg12 : memref<500x32xf32, #tpu.memory_space<vmem>>) dst(%dma_wait3A_189 : memref<500x32xf32, #tpu.memory_space<hbm>>)
        %add3A_190 = arith.constant 1 : i32
        %add3A_191 = arith.addi %scan3A_112, %add3A_190 : i32
        %dma_start3A_192 = arith.constant 0 : i32
        %dma_start3A_193 = tpu.memref_slice %arg7[%add3A_191, %dma_start3A_192] : memref<20x500xi32, #tpu.memory_space<vmem>> -> memref<1x500xi32, #tpu.memory_space<vmem>>
        %dma_start3A_194 = tpu.memref_squeeze %dma_start3A_193 : memref<1x500xi32, #tpu.memory_space<vmem>> -> memref<500xi32, #tpu.memory_space<vmem>>
        %dma_start3A_195 = arith.constant 0 : i32
        %dma_start3A_196 = arith.constant 0 : i32
        %dma_start3A_197 = tpu.memref_slice %arg13[%dma_start3A_195, %dma_start3A_196] : memref<10000x32xf32, #tpu.memory_space<vmem_shared>> -> memref<10000x32xf32, #tpu.memory_space<vmem_shared>>
        tpu.enqueue_indirect_dma source(%dma_start3A_197 : memref<10000x32xf32, #tpu.memory_space<vmem_shared>>) target(%arg10 : memref<500x32xf32, #tpu.memory_space<vmem>>) offsets(%dma_start3A_194 : memref<500xi32, #tpu.memory_space<vmem>>) semaphore(%arg16 : memref<!tpu.dma_semaphore, #tpu.memory_space<semaphore_mem>>)
        %dma_start3A_198 = arith.constant 0 : i32
        %dma_start3A_199 = tpu.memref_slice %arg8[%add3A_191, %dma_start3A_198] : memref<20x500xi32, #tpu.memory_space<vmem>> -> memref<1x500xi32, #tpu.memory_space<vmem>>
        %dma_start3A_200 = tpu.memref_squeeze %dma_start3A_199 : memref<1x500xi32, #tpu.memory_space<vmem>> -> memref<500xi32, #tpu.memory_space<vmem>>
        %dma_start3A_201 = arith.constant 0 : i32
        %dma_start3A_202 = arith.constant 0 : i32
        %dma_start3A_203 = tpu.memref_slice %arg14[%dma_start3A_201, %dma_start3A_202] : memref<10000x32xf32, #tpu.memory_space<vmem_shared>> -> memref<10000x32xf32, #tpu.memory_space<vmem_shared>>
        tpu.enqueue_indirect_dma source(%dma_start3A_203 : memref<10000x32xf32, #tpu.memory_space<vmem_shared>>) target(%arg12 : memref<500x32xf32, #tpu.memory_space<vmem>>) offsets(%dma_start3A_200 : memref<500xi32, #tpu.memory_space<vmem>>) semaphore(%arg18 : memref<!tpu.dma_semaphore, #tpu.memory_space<semaphore_mem>>)
      } else {
      }
      %jit3A_128 = arith.constant 2 : i32
      %eq3A_129 = arith.constant 0 : i32
      %eq3A_130 = arith.cmpi eq, %jit3A_128, %eq3A_129 : i32
      %jit3A_131 = arith.constant 1 : i32
      %select_n3A_132 = arith.select %eq3A_130, %jit3A_131, %jit3A_128 : i32
      %rem3A_133 = arith.remsi %scan3A_112, %select_n3A_132 : i32
      %ne3A_134 = arith.constant 0 : i32
      %ne3A_135 = arith.cmpi ne, %rem3A_133, %ne3A_134 : i32
      %lt3A_136 = arith.constant 0 : i32
      %lt3A_137 = arith.cmpi slt, %rem3A_133, %lt3A_136 : i32
      %lt3A_138 = arith.constant 0 : i32
      %lt3A_139 = arith.cmpi slt, %select_n3A_132, %lt3A_138 : i32
      %ne3A_140 = arith.xori %lt3A_137, %lt3A_139 : i1
      %and3A_141 = arith.andi %ne3A_140, %ne3A_135 : i1
      %add3A_142 = arith.addi %rem3A_133, %select_n3A_132 : i32
      %select_n3A_143 = arith.select %and3A_141, %add3A_142, %rem3A_133 : i32
      %eq3A_144 = arith.constant 1 : i32
      %eq3A_145 = arith.cmpi eq, %select_n3A_143, %eq3A_144 : i32
      %convert_element_type3A_146 = arith.extui %eq3A_145 : i1 to i32
      %cond3A_147 = arith.constant 0 : i32
      %cond3A_148 = arith.cmpi ne, %convert_element_type3A_146, %cond3A_147 : i32
      scf.if %cond3A_148 {
        %dma_wait3A_149 = arith.constant 0 : i32
        %dma_wait3A_150 = tpu.memref_slice %arg7[%scan3A_112, %dma_wait3A_149] : memref<20x500xi32, #tpu.memory_space<vmem>> -> memref<1x500xi32, #tpu.memory_space<vmem>>
        %dma_wait3A_151 = tpu.memref_squeeze %dma_wait3A_150 : memref<1x500xi32, #tpu.memory_space<vmem>> -> memref<500xi32, #tpu.memory_space<vmem>>
        %dma_wait3A_152 = arith.constant 0 : i32
        %dma_wait3A_153 = arith.constant 0 : i32
        %dma_wait3A_154 = tpu.memref_slice %arg13[%dma_wait3A_152, %dma_wait3A_153] : memref<10000x32xf32, #tpu.memory_space<vmem_shared>> -> memref<10000x32xf32, #tpu.memory_space<vmem_shared>>
        tpu.wait_indirect_dma semaphore(%arg16 : memref<!tpu.dma_semaphore, #tpu.memory_space<semaphore_mem>>) src(%dma_wait3A_154 : memref<10000x32xf32, #tpu.memory_space<vmem_shared>>) dst(%arg10 : memref<500x32xf32, #tpu.memory_space<vmem>>)
        %dma_wait3A_155 = arith.constant 0 : i32
        %dma_wait3A_156 = tpu.memref_slice %arg8[%scan3A_112, %dma_wait3A_155] : memref<20x500xi32, #tpu.memory_space<vmem>> -> memref<1x500xi32, #tpu.memory_space<vmem>>
        %dma_wait3A_157 = tpu.memref_squeeze %dma_wait3A_156 : memref<1x500xi32, #tpu.memory_space<vmem>> -> memref<500xi32, #tpu.memory_space<vmem>>
        %dma_wait3A_158 = arith.constant 0 : i32
        %dma_wait3A_159 = arith.constant 0 : i32
        %dma_wait3A_160 = tpu.memref_slice %arg14[%dma_wait3A_158, %dma_wait3A_159] : memref<10000x32xf32, #tpu.memory_space<vmem_shared>> -> memref<10000x32xf32, #tpu.memory_space<vmem_shared>>
        tpu.wait_indirect_dma semaphore(%arg18 : memref<!tpu.dma_semaphore, #tpu.memory_space<semaphore_mem>>) src(%dma_wait3A_160 : memref<10000x32xf32, #tpu.memory_space<vmem_shared>>) dst(%arg12 : memref<500x32xf32, #tpu.memory_space<vmem>>)
        %mul3A_161 = arith.constant 500 : i32
        %mul3A_162 = arith.muli %scan3A_112, %mul3A_161 : i32
        %add3A_163 = arith.addi %mul3A_4, %mul3A_162 : i32
        %dma_start3A_164 = arith.constant 0 : i32
        %dma_start3A_165 = tpu.memref_slice %arg5[%add3A_163, %dma_start3A_164] : memref<320000x32xf32, #tpu.memory_space<hbm>> -> memref<500x32xf32, #tpu.memory_space<hbm>>
        %dma_start3A_166 = arith.constant 0 : i32
        %dma_start3A_167 = tpu.memref_slice %arg5[%add3A_163, %dma_start3A_166] : memref<320000x32xf32, #tpu.memory_space<hbm>> -> memref<500x32xf32, #tpu.memory_space<hbm>>
        tpu.enqueue_dma source(%arg10 : memref<500x32xf32, #tpu.memory_space<vmem>>) target(%dma_start3A_167 : memref<500x32xf32, #tpu.memory_space<hbm>>) target_semaphore(%arg20 : memref<!tpu.dma_semaphore, #tpu.memory_space<semaphore_mem>>)
        %mul3A_168 = arith.constant 500 : i32
        %mul3A_169 = arith.muli %scan3A_112, %mul3A_168 : i32
        %add3A_170 = arith.addi %mul3A_4, %mul3A_169 : i32
        %dma_start3A_171 = arith.constant 0 : i32
        %dma_start3A_172 = tpu.memref_slice %arg6[%add3A_170, %dma_start3A_171] : memref<320000x32xf32, #tpu.memory_space<hbm>> -> memref<500x32xf32, #tpu.memory_space<hbm>>
        %dma_start3A_173 = arith.constant 0 : i32
        %dma_start3A_174 = tpu.memref_slice %arg6[%add3A_170, %dma_start3A_173] : memref<320000x32xf32, #tpu.memory_space<hbm>> -> memref<500x32xf32, #tpu.memory_space<hbm>>
        tpu.enqueue_dma source(%arg12 : memref<500x32xf32, #tpu.memory_space<vmem>>) target(%dma_start3A_174 : memref<500x32xf32, #tpu.memory_space<hbm>>) target_semaphore(%arg22 : memref<!tpu.dma_semaphore, #tpu.memory_space<semaphore_mem>>)
        %sub3A = arith.constant 1 : i32
        %sub3A_175 = arith.subi %scan3A_112, %sub3A : i32
        %mul3A_176 = arith.constant 500 : i32
        %mul3A_177 = arith.muli %sub3A_175, %mul3A_176 : i32
        %add3A_178 = arith.addi %mul3A_4, %mul3A_177 : i32
        %dma_wait3A_179 = arith.constant 0 : i32
        %dma_wait3A_180 = tpu.memref_slice %arg5[%add3A_178, %dma_wait3A_179] : memref<320000x32xf32, #tpu.memory_space<hbm>> -> memref<500x32xf32, #tpu.memory_space<hbm>>
        %dma_wait3A_181 = arith.constant 0 : i32
        %dma_wait3A_182 = tpu.memref_slice %arg5[%add3A_178, %dma_wait3A_181] : memref<320000x32xf32, #tpu.memory_space<hbm>> -> memref<500x32xf32, #tpu.memory_space<hbm>>
        tpu.wait_dma2 semaphore(%arg19 : memref<!tpu.dma_semaphore, #tpu.memory_space<semaphore_mem>>) src(%arg9 : memref<500x32xf32, #tpu.memory_space<vmem>>) dst(%dma_wait3A_182 : memref<500x32xf32, #tpu.memory_space<hbm>>)
        %mul3A_183 = arith.constant 500 : i32
        %mul3A_184 = arith.muli %sub3A_175, %mul3A_183 : i32
        %add3A_185 = arith.addi %mul3A_4, %mul3A_184 : i32
        %dma_wait3A_186 = arith.constant 0 : i32
        %dma_wait3A_187 = tpu.memref_slice %arg6[%add3A_185, %dma_wait3A_186] : memref<320000x32xf32, #tpu.memory_space<hbm>> -> memref<500x32xf32, #tpu.memory_space<hbm>>
        %dma_wait3A_188 = arith.constant 0 : i32
        %dma_wait3A_189 = tpu.memref_slice %arg6[%add3A_185, %dma_wait3A_188] : memref<320000x32xf32, #tpu.memory_space<hbm>> -> memref<500x32xf32, #tpu.memory_space<hbm>>
        tpu.wait_dma2 semaphore(%arg21 : memref<!tpu.dma_semaphore, #tpu.memory_space<semaphore_mem>>) src(%arg11 : memref<500x32xf32, #tpu.memory_space<vmem>>) dst(%dma_wait3A_189 : memref<500x32xf32, #tpu.memory_space<hbm>>)
        %add3A_190 = arith.constant 1 : i32
        %add3A_191 = arith.addi %scan3A_112, %add3A_190 : i32
        %dma_start3A_192 = arith.constant 0 : i32
        %dma_start3A_193 = tpu.memref_slice %arg7[%add3A_191, %dma_start3A_192] : memref<20x500xi32, #tpu.memory_space<vmem>> -> memref<1x500xi32, #tpu.memory_space<vmem>>
        %dma_start3A_194 = tpu.memref_squeeze %dma_start3A_193 : memref<1x500xi32, #tpu.memory_space<vmem>> -> memref<500xi32, #tpu.memory_space<vmem>>
        %dma_start3A_195 = arith.constant 0 : i32
        %dma_start3A_196 = arith.constant 0 : i32
        %dma_start3A_197 = tpu.memref_slice %arg13[%dma_start3A_195, %dma_start3A_196] : memref<10000x32xf32, #tpu.memory_space<vmem_shared>> -> memref<10000x32xf32, #tpu.memory_space<vmem_shared>>
        tpu.enqueue_indirect_dma source(%dma_start3A_197 : memref<10000x32xf32, #tpu.memory_space<vmem_shared>>) target(%arg9 : memref<500x32xf32, #tpu.memory_space<vmem>>) offsets(%dma_start3A_194 : memref<500xi32, #tpu.memory_space<vmem>>) semaphore(%arg15 : memref<!tpu.dma_semaphore, #tpu.memory_space<semaphore_mem>>)
        %dma_start3A_198 = arith.constant 0 : i32
        %dma_start3A_199 = tpu.memref_slice %arg8[%add3A_191, %dma_start3A_198] : memref<20x500xi32, #tpu.memory_space<vmem>> -> memref<1x500xi32, #tpu.memory_space<vmem>>
        %dma_start3A_200 = tpu.memref_squeeze %dma_start3A_199 : memref<1x500xi32, #tpu.memory_space<vmem>> -> memref<500xi32, #tpu.memory_space<vmem>>
        %dma_start3A_201 = arith.constant 0 : i32
        %dma_start3A_202 = arith.constant 0 : i32
        %dma_start3A_203 = tpu.memref_slice %arg14[%dma_start3A_201, %dma_start3A_202] : memref<10000x32xf32, #tpu.memory_space<vmem_shared>> -> memref<10000x32xf32, #tpu.memory_space<vmem_shared>>
        tpu.enqueue_indirect_dma source(%dma_start3A_203 : memref<10000x32xf32, #tpu.memory_space<vmem_shared>>) target(%arg11 : memref<500x32xf32, #tpu.memory_space<vmem>>) offsets(%dma_start3A_200 : memref<500xi32, #tpu.memory_space<vmem>>) semaphore(%arg17 : memref<!tpu.dma_semaphore, #tpu.memory_space<semaphore_mem>>)
      } else {
      }
    }
    %scan3A_61 = arith.constant 18 : i32
    %dma_wait3A_62 = arith.constant 19 : i32
    %dma_wait3A_63 = arith.constant 0 : i32
    %dma_wait3A_64 = tpu.memref_slice %arg7[%dma_wait3A_62, %dma_wait3A_63] : memref<20x500xi32, #tpu.memory_space<vmem>> -> memref<1x500xi32, #tpu.memory_space<vmem>>
    %dma_wait3A_65 = tpu.memref_squeeze %dma_wait3A_64 : memref<1x500xi32, #tpu.memory_space<vmem>> -> memref<500xi32, #tpu.memory_space<vmem>>
    %dma_wait3A_66 = arith.constant 0 : i32
    %dma_wait3A_67 = arith.constant 0 : i32
    %dma_wait3A_68 = tpu.memref_slice %arg13[%dma_wait3A_66, %dma_wait3A_67] : memref<10000x32xf32, #tpu.memory_space<vmem_shared>> -> memref<10000x32xf32, #tpu.memory_space<vmem_shared>>
    tpu.wait_indirect_dma semaphore(%arg16 : memref<!tpu.dma_semaphore, #tpu.memory_space<semaphore_mem>>) src(%dma_wait3A_68 : memref<10000x32xf32, #tpu.memory_space<vmem_shared>>) dst(%arg10 : memref<500x32xf32, #tpu.memory_space<vmem>>)
    %dma_wait3A_69 = arith.constant 19 : i32
    %dma_wait3A_70 = arith.constant 0 : i32
    %dma_wait3A_71 = tpu.memref_slice %arg8[%dma_wait3A_69, %dma_wait3A_70] : memref<20x500xi32, #tpu.memory_space<vmem>> -> memref<1x500xi32, #tpu.memory_space<vmem>>
    %dma_wait3A_72 = tpu.memref_squeeze %dma_wait3A_71 : memref<1x500xi32, #tpu.memory_space<vmem>> -> memref<500xi32, #tpu.memory_space<vmem>>
    %dma_wait3A_73 = arith.constant 0 : i32
    %dma_wait3A_74 = arith.constant 0 : i32
    %dma_wait3A_75 = tpu.memref_slice %arg14[%dma_wait3A_73, %dma_wait3A_74] : memref<10000x32xf32, #tpu.memory_space<vmem_shared>> -> memref<10000x32xf32, #tpu.memory_space<vmem_shared>>
    tpu.wait_indirect_dma semaphore(%arg18 : memref<!tpu.dma_semaphore, #tpu.memory_space<semaphore_mem>>) src(%dma_wait3A_75 : memref<10000x32xf32, #tpu.memory_space<vmem_shared>>) dst(%arg12 : memref<500x32xf32, #tpu.memory_space<vmem>>)
    %add3A_76 = arith.constant 9500 : i32
    %add3A_77 = arith.addi %mul3A_4, %add3A_76 : i32
    %dma_start3A_78 = arith.constant 0 : i32
    %dma_start3A_79 = tpu.memref_slice %arg5[%add3A_77, %dma_start3A_78] : memref<320000x32xf32, #tpu.memory_space<hbm>> -> memref<500x32xf32, #tpu.memory_space<hbm>>
    %dma_start3A_80 = arith.constant 0 : i32
    %dma_start3A_81 = tpu.memref_slice %arg5[%add3A_77, %dma_start3A_80] : memref<320000x32xf32, #tpu.memory_space<hbm>> -> memref<500x32xf32, #tpu.memory_space<hbm>>
    tpu.enqueue_dma source(%arg10 : memref<500x32xf32, #tpu.memory_space<vmem>>) target(%dma_start3A_81 : memref<500x32xf32, #tpu.memory_space<hbm>>) target_semaphore(%arg20 : memref<!tpu.dma_semaphore, #tpu.memory_space<semaphore_mem>>)
    %add3A_82 = arith.constant 9500 : i32
    %add3A_83 = arith.addi %mul3A_4, %add3A_82 : i32
    %dma_start3A_84 = arith.constant 0 : i32
    %dma_start3A_85 = tpu.memref_slice %arg6[%add3A_83, %dma_start3A_84] : memref<320000x32xf32, #tpu.memory_space<hbm>> -> memref<500x32xf32, #tpu.memory_space<hbm>>
    %dma_start3A_86 = arith.constant 0 : i32
    %dma_start3A_87 = tpu.memref_slice %arg6[%add3A_83, %dma_start3A_86] : memref<320000x32xf32, #tpu.memory_space<hbm>> -> memref<500x32xf32, #tpu.memory_space<hbm>>
    tpu.enqueue_dma source(%arg12 : memref<500x32xf32, #tpu.memory_space<vmem>>) target(%dma_start3A_87 : memref<500x32xf32, #tpu.memory_space<hbm>>) target_semaphore(%arg22 : memref<!tpu.dma_semaphore, #tpu.memory_space<semaphore_mem>>)
    %add3A_88 = arith.constant 9000 : i32
    %add3A_89 = arith.addi %mul3A_4, %add3A_88 : i32
    %dma_wait3A_90 = arith.constant 0 : i32
    %dma_wait3A_91 = tpu.memref_slice %arg5[%add3A_89, %dma_wait3A_90] : memref<320000x32xf32, #tpu.memory_space<hbm>> -> memref<500x32xf32, #tpu.memory_space<hbm>>
    %dma_wait3A_92 = arith.constant 0 : i32
    %dma_wait3A_93 = tpu.memref_slice %arg5[%add3A_89, %dma_wait3A_92] : memref<320000x32xf32, #tpu.memory_space<hbm>> -> memref<500x32xf32, #tpu.memory_space<hbm>>
    tpu.wait_dma2 semaphore(%arg19 : memref<!tpu.dma_semaphore, #tpu.memory_space<semaphore_mem>>) src(%arg9 : memref<500x32xf32, #tpu.memory_space<vmem>>) dst(%dma_wait3A_93 : memref<500x32xf32, #tpu.memory_space<hbm>>)
    %add3A_94 = arith.constant 9000 : i32
    %add3A_95 = arith.addi %mul3A_4, %add3A_94 : i32
    %dma_wait3A_96 = arith.constant 0 : i32
    %dma_wait3A_97 = tpu.memref_slice %arg6[%add3A_95, %dma_wait3A_96] : memref<320000x32xf32, #tpu.memory_space<hbm>> -> memref<500x32xf32, #tpu.memory_space<hbm>>
    %dma_wait3A_98 = arith.constant 0 : i32
    %dma_wait3A_99 = tpu.memref_slice %arg6[%add3A_95, %dma_wait3A_98] : memref<320000x32xf32, #tpu.memory_space<hbm>> -> memref<500x32xf32, #tpu.memory_space<hbm>>
    tpu.wait_dma2 semaphore(%arg21 : memref<!tpu.dma_semaphore, #tpu.memory_space<semaphore_mem>>) src(%arg11 : memref<500x32xf32, #tpu.memory_space<vmem>>) dst(%dma_wait3A_99 : memref<500x32xf32, #tpu.memory_space<hbm>>)
    %add3A_100 = arith.constant 9500 : i32
    %add3A_101 = arith.addi %mul3A_4, %add3A_100 : i32
    %dma_wait3A_102 = arith.constant 0 : i32
    %dma_wait3A_103 = tpu.memref_slice %arg5[%add3A_101, %dma_wait3A_102] : memref<320000x32xf32, #tpu.memory_space<hbm>> -> memref<500x32xf32, #tpu.memory_space<hbm>>
    %dma_wait3A_104 = arith.constant 0 : i32
    %dma_wait3A_105 = tpu.memref_slice %arg5[%add3A_101, %dma_wait3A_104] : memref<320000x32xf32, #tpu.memory_space<hbm>> -> memref<500x32xf32, #tpu.memory_space<hbm>>
    tpu.wait_dma2 semaphore(%arg20 : memref<!tpu.dma_semaphore, #tpu.memory_space<semaphore_mem>>) src(%arg10 : memref<500x32xf32, #tpu.memory_space<vmem>>) dst(%dma_wait3A_105 : memref<500x32xf32, #tpu.memory_space<hbm>>)
    %add3A_106 = arith.constant 9500 : i32
    %add3A_107 = arith.addi %mul3A_4, %add3A_106 : i32
    %dma_wait3A_108 = arith.constant 0 : i32
    %dma_wait3A_109 = tpu.memref_slice %arg6[%add3A_107, %dma_wait3A_108] : memref<320000x32xf32, #tpu.memory_space<hbm>> -> memref<500x32xf32, #tpu.memory_space<hbm>>
    %dma_wait3A_110 = arith.constant 0 : i32
    %dma_wait3A_111 = tpu.memref_slice %arg6[%add3A_107, %dma_wait3A_110] : memref<320000x32xf32, #tpu.memory_space<hbm>> -> memref<500x32xf32, #tpu.memory_space<hbm>>
    tpu.wait_dma2 semaphore(%arg22 : memref<!tpu.dma_semaphore, #tpu.memory_space<semaphore_mem>>) src(%arg12 : memref<500x32xf32, #tpu.memory_space<vmem>>) dst(%dma_wait3A_111 : memref<500x32xf32, #tpu.memory_space<hbm>>)
    return
  }
}

module attributes {stable_mosaic.version = 14 : i64} {
  func.func @body(%arg0: memref<10000x128xf32, #tpu.memory_space<vmem>>, %arg1: memref<1x128xf32, #tpu.memory_space<vmem>>, %arg2: memref<1x128xf32, #tpu.memory_space<vmem>>, %arg3: memref<256x32xf32, #tpu.memory_space<vmem>>, %arg4: memref<10000x128xf32, #tpu.memory_space<vmem>>) attributes {dimension_semantics = [], scalar_prefetch = 0 : i64, scratch_operands = 0 : i64, tpu.core_type = #tpu.core_type<tc>} {
    %get3A = arith.constant 0 : index
    %get3A_0 = arith.constant 0 : index
    %get3A_1 = vector.load %arg0[%get3A, %get3A_0] : memref<10000x128xf32, #tpu.memory_space<vmem>>, vector<10000x128xf32>
    %reduce_sum3A = arith.constant dense<0.000000e+00> : vector<128xf32>
    %reduce_sum3A_2 = vector.multi_reduction <add>, %get3A_1, %reduce_sum3A [0] : vector<10000x128xf32> to vector<128xf32>
    %broadcast_in_dim3A = vector.shape_cast %reduce_sum3A_2 : vector<128xf32> to vector<1x128xf32>
    %div3A = arith.constant 1.000000e+04 : f32
    %div3A_3 = vector.broadcast %div3A : f32 to vector<1x128xf32>
    %div3A_4 = arith.divf %broadcast_in_dim3A, %div3A_3 : vector<1x128xf32>
    %sub3A = vector.broadcast %div3A_4 : vector<1x128xf32> to vector<10000x128xf32>
    %sub3A_5 = arith.subf %get3A_1, %sub3A : vector<10000x128xf32>
    %integer_pow3A = arith.mulf %sub3A_5, %sub3A_5 : vector<10000x128xf32>
    %reduce_sum3A_6 = arith.constant dense<0.000000e+00> : vector<128xf32>
    %reduce_sum3A_7 = vector.multi_reduction <add>, %integer_pow3A, %reduce_sum3A_6 [0] : vector<10000x128xf32> to vector<128xf32>
    %broadcast_in_dim3A_8 = vector.shape_cast %reduce_sum3A_7 : vector<128xf32> to vector<1x128xf32>
    %div3A_9 = arith.constant 1.000000e+04 : f32
    %div3A_10 = vector.broadcast %div3A_9 : f32 to vector<1x128xf32>
    %div3A_11 = arith.divf %broadcast_in_dim3A_8, %div3A_10 : vector<1x128xf32>
    %sub3A_12 = vector.broadcast %div3A_4 : vector<1x128xf32> to vector<10000x128xf32>
    %sub3A_13 = arith.subf %get3A_1, %sub3A_12 : vector<10000x128xf32>
    %add3A = arith.constant 9.99999974E-6 : f32
    %add3A_14 = vector.broadcast %add3A : f32 to vector<1x128xf32>
    %add3A_15 = arith.addf %div3A_11, %add3A_14 : vector<1x128xf32>
    %rsqrt3A = math.rsqrt %add3A_15 : vector<1x128xf32>
    %mul3A = vector.broadcast %rsqrt3A : vector<1x128xf32> to vector<10000x128xf32>
    %mul3A_16 = arith.mulf %sub3A_13, %mul3A : vector<10000x128xf32>
    %get3A_17 = arith.constant 0 : index
    %get3A_18 = arith.constant 0 : index
    %get3A_19 = vector.load %arg1[%get3A_17, %get3A_18] : memref<1x128xf32, #tpu.memory_space<vmem>>, vector<1x128xf32>
    %mul3A_20 = vector.broadcast %get3A_19 : vector<1x128xf32> to vector<10000x128xf32>
    %mul3A_21 = arith.mulf %mul3A_16, %mul3A_20 : vector<10000x128xf32>
    %get3A_22 = arith.constant 0 : index
    %get3A_23 = arith.constant 0 : index
    %get3A_24 = vector.load %arg2[%get3A_22, %get3A_23] : memref<1x128xf32, #tpu.memory_space<vmem>>, vector<1x128xf32>
    %add3A_25 = vector.broadcast %get3A_24 : vector<1x128xf32> to vector<10000x128xf32>
    %add3A_26 = arith.addf %mul3A_21, %add3A_25 : vector<10000x128xf32>
    %get3A_27 = arith.constant 0 : index
    %get3A_28 = arith.constant 0 : index
    %get3A_29 = vector.load %arg3[%get3A_27, %get3A_28] : memref<256x32xf32, #tpu.memory_space<vmem>>, vector<128x32xf32>
    %get3A_30 = arith.constant 128 : index
    %get3A_31 = arith.constant 0 : index
    %get3A_32 = vector.load %arg3[%get3A_30, %get3A_31] : memref<256x32xf32, #tpu.memory_space<vmem>>, vector<128x32xf32>
    %sub3A_33 = arith.subf %get3A_29, %get3A_32 : vector<128x32xf32>
    %dot_general3A = arith.constant dense<0.000000e+00> : vector<10000x32xf32>
    %dot_general3A_34 = tpu.matmul %add3A_26, %sub3A_33, %dot_general3A {dimension_numbers = #tpu.dot_dimension_numbers<[1], [0], [0], [1], [0, 0, 1, 1], [], []>, transpose_lhs_hint = false} : vector<10000x128xf32>, vector<128x32xf32>, vector<10000x32xf32> -> vector<10000x32xf32>
    %dot_general3A_35 = arith.constant dense<0.000000e+00> : vector<10000x32xf32>
    %dot_general3A_36 = tpu.matmul %add3A_26, %get3A_32, %dot_general3A_35 {dimension_numbers = #tpu.dot_dimension_numbers<[1], [0], [0], [1], [0, 0, 1, 1], [], []>, transpose_lhs_hint = false} : vector<10000x128xf32>, vector<128x32xf32>, vector<10000x32xf32> -> vector<10000x32xf32>
    %broadcast_in_dim3A_37 = arith.constant 0.000000e+00 : f32
    %broadcast_in_dim3A_38 = vector.broadcast %broadcast_in_dim3A_37 : f32 to vector<10000x64xf32>
    %concatenate3A = tpu.concatenate %dot_general3A_34, %dot_general3A_36, %broadcast_in_dim3A_38 in 1 : vector<10000x32xf32>, vector<10000x32xf32>, vector<10000x64xf32> -> vector<10000x128xf32>
    %swap3A = arith.constant 0 : index
    %swap3A_39 = arith.constant 0 : index
    %swap3A_40 = vector.load %arg4[%swap3A, %swap3A_39] : memref<10000x128xf32, #tpu.memory_space<vmem>>, vector<10000x128xf32>
    tpu.vector_store %arg4[%swap3A, %swap3A_39], %concatenate3A {strides = array<i32>} : memref<10000x128xf32, #tpu.memory_space<vmem>>, vector<10000x128xf32>,
    return
  }
}

module attributes {stable_mosaic.version = 14 : i64} {
  func.func @body(%arg0: i32, %arg1: memref<8000x128xf32, #tpu.memory_space<vmem>>, %arg2: memref<8000x128xf32, #tpu.memory_space<vmem>>, %arg3: memref<1x128xf32, #tpu.memory_space<vmem>>, %arg4: memref<128x128xf32, #tpu.memory_space<vmem>>, %arg5: memref<1x128xf32, #tpu.memory_space<vmem>>, %arg6: memref<128x128xf32, #tpu.memory_space<vmem>>, %arg7: memref<1x128xf32, #tpu.memory_space<vmem>>, %arg8: memref<8000x128xf32, #tpu.memory_space<vmem>>) attributes {dimension_semantics = [#tpu.dimension_semantics<arbitrary>], iteration_bounds = array<i64: 10>, scalar_prefetch = 0 : i64, scratch_operands = 0 : i64, tpu.core_type = #tpu.core_type<tc>, window_params = [{transform_indices = @transform_0, window_bounds = array<i64: 8000, 128>}, {transform_indices = @transform_1, window_bounds = array<i64: 8000, 128>}, {pipeline_mode = #tpu.pipeline_mode<synchronous>, transform_indices = @transform_2, window_bounds = array<i64: 1, 128>}, {pipeline_mode = #tpu.pipeline_mode<synchronous>, transform_indices = @transform_3, window_bounds = array<i64: 128, 128>}, {pipeline_mode = #tpu.pipeline_mode<synchronous>, transform_indices = @transform_4, window_bounds = array<i64: 1, 128>}, {pipeline_mode = #tpu.pipeline_mode<synchronous>, transform_indices = @transform_5, window_bounds = array<i64: 128, 128>}, {pipeline_mode = #tpu.pipeline_mode<synchronous>, transform_indices = @transform_6, window_bounds = array<i64: 1, 128>}, {transform_indices = @transform_7, window_bounds = array<i64: 8000, 128>}]} {
    %get3A = arith.constant 0 : index
    %get3A_0 = arith.constant 0 : index
    %get3A_1 = vector.load %arg1[%get3A, %get3A_0] : memref<8000x128xf32, #tpu.memory_space<vmem>>, vector<8000x128xf32>
    %get3A_2 = arith.constant 0 : index
    %get3A_3 = arith.constant 0 : index
    %get3A_4 = vector.load %arg2[%get3A_2, %get3A_3] : memref<8000x128xf32, #tpu.memory_space<vmem>>, vector<8000x128xf32>
    %add3A = arith.addf %get3A_1, %get3A_4 : vector<8000x128xf32>
    %get3A_5 = arith.constant 0 : index
    %get3A_6 = arith.constant 0 : index
    %get3A_7 = vector.load %arg3[%get3A_5, %get3A_6] : memref<1x128xf32, #tpu.memory_space<vmem>>, vector<1x128xf32>
    %add3A_8 = vector.broadcast %get3A_7 : vector<1x128xf32> to vector<8000x128xf32>
    %add3A_9 = arith.addf %add3A, %add3A_8 : vector<8000x128xf32>
    %max3A = arith.constant 0.000000e+00 : f32
    %max3A_10 = vector.broadcast %max3A : f32 to vector<8000x128xf32>
    %max3A_11 = arith.maximumf %add3A_9, %max3A_10 : vector<8000x128xf32>
    %get3A_12 = arith.constant 0 : index
    %get3A_13 = arith.constant 0 : index
    %get3A_14 = vector.load %arg4[%get3A_12, %get3A_13] : memref<128x128xf32, #tpu.memory_space<vmem>>, vector<128x128xf32>
    %dot_general3A = arith.constant dense<0.000000e+00> : vector<8000x128xf32>
    %dot_general3A_15 = tpu.matmul %max3A_11, %get3A_14, %dot_general3A {dimension_numbers = #tpu.dot_dimension_numbers<[1], [0], [0], [1], [0, 0, 1, 1], [], []>, transpose_lhs_hint = false} : vector<8000x128xf32>, vector<128x128xf32>, vector<8000x128xf32> -> vector<8000x128xf32>
    %get3A_16 = arith.constant 0 : index
    %get3A_17 = arith.constant 0 : index
    %get3A_18 = vector.load %arg5[%get3A_16, %get3A_17] : memref<1x128xf32, #tpu.memory_space<vmem>>, vector<1x128xf32>
    %add3A_19 = vector.broadcast %get3A_18 : vector<1x128xf32> to vector<8000x128xf32>
    %add3A_20 = arith.addf %dot_general3A_15, %add3A_19 : vector<8000x128xf32>
    %max3A_21 = arith.constant 0.000000e+00 : f32
    %max3A_22 = vector.broadcast %max3A_21 : f32 to vector<8000x128xf32>
    %max3A_23 = arith.maximumf %add3A_20, %max3A_22 : vector<8000x128xf32>
    %get3A_24 = arith.constant 0 : index
    %get3A_25 = arith.constant 0 : index
    %get3A_26 = vector.load %arg6[%get3A_24, %get3A_25] : memref<128x128xf32, #tpu.memory_space<vmem>>, vector<128x128xf32>
    %dot_general3A_27 = arith.constant dense<0.000000e+00> : vector<8000x128xf32>
    %dot_general3A_28 = tpu.matmul %max3A_23, %get3A_26, %dot_general3A_27 {dimension_numbers = #tpu.dot_dimension_numbers<[1], [0], [0], [1], [0, 0, 1, 1], [], []>, transpose_lhs_hint = false} : vector<8000x128xf32>, vector<128x128xf32>, vector<8000x128xf32> -> vector<8000x128xf32>
    %get3A_29 = arith.constant 0 : index
    %get3A_30 = arith.constant 0 : index
    %get3A_31 = vector.load %arg7[%get3A_29, %get3A_30] : memref<1x128xf32, #tpu.memory_space<vmem>>, vector<1x128xf32>
    %add3A_32 = vector.broadcast %get3A_31 : vector<1x128xf32> to vector<8000x128xf32>
    %add3A_33 = arith.addf %dot_general3A_28, %add3A_32 : vector<8000x128xf32>
    %max3A_34 = arith.constant 0.000000e+00 : f32
    %max3A_35 = vector.broadcast %max3A_34 : f32 to vector<8000x128xf32>
    %max3A_36 = arith.maximumf %add3A_33, %max3A_35 : vector<8000x128xf32>
    %swap3A = arith.constant 0 : index
    %swap3A_37 = arith.constant 0 : index
    %swap3A_38 = vector.load %arg8[%swap3A, %swap3A_37] : memref<8000x128xf32, #tpu.memory_space<vmem>>, vector<8000x128xf32>
    tpu.vector_store %arg8[%swap3A, %swap3A_37], %max3A_36 {strides = array<i32>} : memref<8000x128xf32, #tpu.memory_space<vmem>>, vector<8000x128xf32>,
    return
  }
  func.func @transform_0(%arg0: i32) -> (i32, i32) {
    %c0_i32 = arith.constant 0 : i32
    %c0_i32_0 = arith.constant 0 : i32
    return %arg0, %c0_i32 : i32, i32
  }
  func.func @transform_1(%arg0: i32) -> (i32, i32) {
    %c0_i32 = arith.constant 0 : i32
    %c0_i32_0 = arith.constant 0 : i32
    return %arg0, %c0_i32 : i32, i32
  }
  func.func @transform_2(%arg0: i32) -> (i32, i32) {
    %c0_i32 = arith.constant 0 : i32
    %c0_i32_0 = arith.constant 0 : i32
    %c0_i32_1 = arith.constant 0 : i32
    return %c0_i32, %c0_i32_0 : i32, i32
  }
  func.func @transform_3(%arg0: i32) -> (i32, i32) {
    %c0_i32 = arith.constant 0 : i32
    %c0_i32_0 = arith.constant 0 : i32
    %c0_i32_1 = arith.constant 0 : i32
    return %c0_i32, %c0_i32_0 : i32, i32
  }
  func.func @transform_4(%arg0: i32) -> (i32, i32) {
    %c0_i32 = arith.constant 0 : i32
    %c0_i32_0 = arith.constant 0 : i32
    %c0_i32_1 = arith.constant 0 : i32
    return %c0_i32, %c0_i32_0 : i32, i32
  }
  func.func @transform_5(%arg0: i32) -> (i32, i32) {
    %c0_i32 = arith.constant 0 : i32
    %c0_i32_0 = arith.constant 0 : i32
    %c0_i32_1 = arith.constant 0 : i32
    return %c0_i32, %c0_i32_0 : i32, i32
  }
  func.func @transform_6(%arg0: i32) -> (i32, i32) {
    %c0_i32 = arith.constant 0 : i32
    %c0_i32_0 = arith.constant 0 : i32
    %c0_i32_1 = arith.constant 0 : i32
    return %c0_i32, %c0_i32_0 : i32, i32
  }
  func.func @transform_7(%arg0: i32) -> (i32, i32) {
    %c0_i32 = arith.constant 0 : i32
    %c0_i32_0 = arith.constant 0 : i32
    return %arg0, %c0_i32 : i32, i32
  }
}

module attributes {stable_mosaic.version = 14 : i64} {
  func.func @body(%arg0: memref<2x10240x32xf32, #tpu.memory_space<vmem>>, %arg1: memref<2x10240x16xf32, #tpu.memory_space<vmem>>, %arg2: memref<1x10240xi32, #tpu.memory_space<vmem>>, %arg3: memref<64x2xf32, #tpu.memory_space<vmem>>, %arg4: memref<1x2xf32, #tpu.memory_space<vmem>>, %arg5: memref<1x2xf32, #tpu.memory_space<vmem>>, %arg6: memref<34x128xf32, #tpu.memory_space<vmem>>, %arg7: memref<1x128xf32, #tpu.memory_space<vmem>>, %arg8: memref<128x128xf32, #tpu.memory_space<vmem>>, %arg9: memref<1x128xf32, #tpu.memory_space<vmem>>, %arg10: memref<128x1xf32, #tpu.memory_space<vmem>>, %arg11: memref<1x1xf32, #tpu.memory_space<vmem>>, %arg12: memref<64x1xf32, #tpu.memory_space<vmem>>) attributes {dimension_semantics = [], scalar_prefetch = 0 : i64, scratch_operands = 0 : i64, tpu.core_type = #tpu.core_type<tc>} {
    %get3A = arith.constant 0 : index
    %get3A_0 = arith.constant 0 : index
    %get3A_1 = arith.constant 0 : index
    %get3A_2 = vector.load %arg0[%get3A, %get3A_0, %get3A_1] : memref<2x10240x32xf32, #tpu.memory_space<vmem>>, vector<1x10240x32xf32>
    %get3A_3 = vector.shape_cast %get3A_2 : vector<1x10240x32xf32> to vector<10240x32xf32>
    %get3A_4 = arith.constant 1 : index
    %get3A_5 = arith.constant 0 : index
    %get3A_6 = arith.constant 0 : index
    %get3A_7 = vector.load %arg0[%get3A_4, %get3A_5, %get3A_6] : memref<2x10240x32xf32, #tpu.memory_space<vmem>>, vector<1x10240x32xf32>
    %get3A_8 = vector.shape_cast %get3A_7 : vector<1x10240x32xf32> to vector<10240x32xf32>
    %add3A = arith.addf %get3A_3, %get3A_8 : vector<10240x32xf32>
    %get3A_9 = arith.constant 0 : index
    %get3A_10 = arith.constant 0 : index
    %get3A_11 = arith.constant 0 : index
    %get3A_12 = vector.load %arg1[%get3A_9, %get3A_10, %get3A_11] : memref<2x10240x16xf32, #tpu.memory_space<vmem>>, vector<1x10240x1xf32>
    %get3A_13 = vector.shape_cast %get3A_12 : vector<1x10240x1xf32> to vector<10240x1xf32>
    %get3A_14 = arith.constant 1 : index
    %get3A_15 = arith.constant 0 : index
    %get3A_16 = arith.constant 0 : index
    %get3A_17 = vector.load %arg1[%get3A_14, %get3A_15, %get3A_16] : memref<2x10240x16xf32, #tpu.memory_space<vmem>>, vector<1x10240x1xf32>
    %get3A_18 = vector.shape_cast %get3A_17 : vector<1x10240x1xf32> to vector<10240x1xf32>
    %add3A_19 = arith.addf %get3A_13, %get3A_18 : vector<10240x1xf32>
    %max3A = arith.constant 1.000000e+00 : f32
    %max3A_20 = vector.broadcast %max3A : f32 to vector<10240x1xf32>
    %max3A_21 = arith.maximumf %add3A_19, %max3A_20 : vector<10240x1xf32>
    %div3A = vector.broadcast %max3A_21 : vector<10240x1xf32> to vector<10240x32xf32>
    %div3A_22 = arith.divf %add3A, %div3A : vector<10240x32xf32>
    %get3A_23 = arith.constant 0 : index
    %get3A_24 = arith.constant 0 : index
    %get3A_25 = vector.load %arg2[%get3A_23, %get3A_24] : memref<1x10240xi32, #tpu.memory_space<vmem>>, vector<1x10240xi32>
    %iota3A = tpu.iota {dimensions = array<i32: 0>} : vector<64x10240xi32>
    %eq3A = vector.broadcast %get3A_25 : vector<1x10240xi32> to vector<64x10240xi32>
    %eq3A_26 = arith.cmpi eq, %iota3A, %eq3A : vector<64x10240xi32>
    %convert_element_type3A = arith.extui %eq3A_26 : vector<64x10240xi1> to vector<64x10240xi32>
    %convert_element_type3A_27 = arith.sitofp %convert_element_type3A : vector<64x10240xi32> to vector<64x10240xf32>
    %dot_general3A = arith.constant dense<0.000000e+00> : vector<64x32xf32>
    %dot_general3A_28 = tpu.matmul %convert_element_type3A_27, %div3A_22, %dot_general3A {dimension_numbers = #tpu.dot_dimension_numbers<[1], [0], [0], [1], [0, 0, 1, 1], [], []>, transpose_lhs_hint = false} : vector<64x10240xf32>, vector<10240x32xf32>, vector<64x32xf32> -> vector<64x32xf32>
    %reduce_sum3A = arith.constant dense<0.000000e+00> : vector<64xf32>
    %reduce_sum3A_29 = vector.multi_reduction <add>, %convert_element_type3A_27, %reduce_sum3A [1] : vector<64x10240xf32> to vector<64xf32>
    %broadcast_in_dim3A = vector.shape_cast %reduce_sum3A_29 : vector<64xf32> to vector<64x1xf32>
    %max3A_30 = arith.constant 1.000000e+00 : f32
    %max3A_31 = vector.broadcast %max3A_30 : f32 to vector<64x1xf32>
    %max3A_32 = arith.maximumf %broadcast_in_dim3A, %max3A_31 : vector<64x1xf32>
    %div3A_33 = vector.broadcast %max3A_32 : vector<64x1xf32> to vector<64x32xf32>
    %div3A_34 = arith.divf %dot_general3A_28, %div3A_33 : vector<64x32xf32>
    %get3A_35 = arith.constant 0 : index
    %get3A_36 = arith.constant 0 : index
    %get3A_37 = vector.load %arg3[%get3A_35, %get3A_36] : memref<64x2xf32, #tpu.memory_space<vmem>>, vector<64x2xf32>
    %reduce_sum3A_38 = arith.constant dense<0.000000e+00> : vector<2xf32>
    %reduce_sum3A_39 = vector.multi_reduction <add>, %get3A_37, %reduce_sum3A_38 [0] : vector<64x2xf32> to vector<2xf32>
    %broadcast_in_dim3A_40 = vector.shape_cast %reduce_sum3A_39 : vector<2xf32> to vector<1x2xf32>
    %div3A_41 = arith.constant 6.400000e+01 : f32
    %div3A_42 = vector.broadcast %div3A_41 : f32 to vector<1x2xf32>
    %div3A_43 = arith.divf %broadcast_in_dim3A_40, %div3A_42 : vector<1x2xf32>
    %sub3A = vector.broadcast %div3A_43 : vector<1x2xf32> to vector<64x2xf32>
    %sub3A_44 = arith.subf %get3A_37, %sub3A : vector<64x2xf32>
    %integer_pow3A = arith.mulf %sub3A_44, %sub3A_44 : vector<64x2xf32>
    %reduce_sum3A_45 = arith.constant dense<0.000000e+00> : vector<2xf32>
    %reduce_sum3A_46 = vector.multi_reduction <add>, %integer_pow3A, %reduce_sum3A_45 [0] : vector<64x2xf32> to vector<2xf32>
    %broadcast_in_dim3A_47 = vector.shape_cast %reduce_sum3A_46 : vector<2xf32> to vector<1x2xf32>
    %div3A_48 = arith.constant 6.400000e+01 : f32
    %div3A_49 = vector.broadcast %div3A_48 : f32 to vector<1x2xf32>
    %div3A_50 = arith.divf %broadcast_in_dim3A_47, %div3A_49 : vector<1x2xf32>
    %sub3A_51 = vector.broadcast %div3A_43 : vector<1x2xf32> to vector<64x2xf32>
    %sub3A_52 = arith.subf %get3A_37, %sub3A_51 : vector<64x2xf32>
    %add3A_53 = arith.constant 9.99999974E-6 : f32
    %add3A_54 = vector.broadcast %add3A_53 : f32 to vector<1x2xf32>
    %add3A_55 = arith.addf %div3A_50, %add3A_54 : vector<1x2xf32>
    %rsqrt3A = math.rsqrt %add3A_55 : vector<1x2xf32>
    %mul3A = vector.broadcast %rsqrt3A : vector<1x2xf32> to vector<64x2xf32>
    %mul3A_56 = arith.mulf %sub3A_52, %mul3A : vector<64x2xf32>
    %get3A_57 = arith.constant 0 : index
    %get3A_58 = arith.constant 0 : index
    %get3A_59 = vector.load %arg4[%get3A_57, %get3A_58] : memref<1x2xf32, #tpu.memory_space<vmem>>, vector<1x2xf32>
    %mul3A_60 = vector.broadcast %get3A_59 : vector<1x2xf32> to vector<64x2xf32>
    %mul3A_61 = arith.mulf %mul3A_56, %mul3A_60 : vector<64x2xf32>
    %get3A_62 = arith.constant 0 : index
    %get3A_63 = arith.constant 0 : index
    %get3A_64 = vector.load %arg5[%get3A_62, %get3A_63] : memref<1x2xf32, #tpu.memory_space<vmem>>, vector<1x2xf32>
    %add3A_65 = vector.broadcast %get3A_64 : vector<1x2xf32> to vector<64x2xf32>
    %add3A_66 = arith.addf %mul3A_61, %add3A_65 : vector<64x2xf32>
    %concatenate3A = tpu.concatenate %add3A_66, %div3A_34 in 1 : vector<64x2xf32>, vector<64x32xf32> -> vector<64x34xf32>
    %get3A_67 = arith.constant 0 : index
    %get3A_68 = arith.constant 0 : index
    %get3A_69 = vector.load %arg6[%get3A_67, %get3A_68] : memref<34x128xf32, #tpu.memory_space<vmem>>, vector<34x128xf32>
    %dot_general3A_70 = arith.constant dense<0.000000e+00> : vector<64x128xf32>
    %dot_general3A_71 = tpu.matmul %concatenate3A, %get3A_69, %dot_general3A_70 {dimension_numbers = #tpu.dot_dimension_numbers<[1], [0], [0], [1], [0, 0, 1, 1], [], []>, transpose_lhs_hint = false} : vector<64x34xf32>, vector<34x128xf32>, vector<64x128xf32> -> vector<64x128xf32>
    %get3A_72 = arith.constant 0 : index
    %get3A_73 = arith.constant 0 : index
    %get3A_74 = vector.load %arg7[%get3A_72, %get3A_73] : memref<1x128xf32, #tpu.memory_space<vmem>>, vector<1x128xf32>
    %add3A_75 = vector.broadcast %get3A_74 : vector<1x128xf32> to vector<64x128xf32>
    %add3A_76 = arith.addf %dot_general3A_71, %add3A_75 : vector<64x128xf32>
    %max3A_77 = arith.constant 0.000000e+00 : f32
    %max3A_78 = vector.broadcast %max3A_77 : f32 to vector<64x128xf32>
    %max3A_79 = arith.maximumf %add3A_76, %max3A_78 : vector<64x128xf32>
    %get3A_80 = arith.constant 0 : index
    %get3A_81 = arith.constant 0 : index
    %get3A_82 = vector.load %arg8[%get3A_80, %get3A_81] : memref<128x128xf32, #tpu.memory_space<vmem>>, vector<128x128xf32>
    %dot_general3A_83 = arith.constant dense<0.000000e+00> : vector<64x128xf32>
    %dot_general3A_84 = tpu.matmul %max3A_79, %get3A_82, %dot_general3A_83 {dimension_numbers = #tpu.dot_dimension_numbers<[1], [0], [0], [1], [0, 0, 1, 1], [], []>, transpose_lhs_hint = false} : vector<64x128xf32>, vector<128x128xf32>, vector<64x128xf32> -> vector<64x128xf32>
    %get3A_85 = arith.constant 0 : index
    %get3A_86 = arith.constant 0 : index
    %get3A_87 = vector.load %arg9[%get3A_85, %get3A_86] : memref<1x128xf32, #tpu.memory_space<vmem>>, vector<1x128xf32>
    %add3A_88 = vector.broadcast %get3A_87 : vector<1x128xf32> to vector<64x128xf32>
    %add3A_89 = arith.addf %dot_general3A_84, %add3A_88 : vector<64x128xf32>
    %max3A_90 = arith.constant 0.000000e+00 : f32
    %max3A_91 = vector.broadcast %max3A_90 : f32 to vector<64x128xf32>
    %max3A_92 = arith.maximumf %add3A_89, %max3A_91 : vector<64x128xf32>
    %get3A_93 = arith.constant 0 : index
    %get3A_94 = arith.constant 0 : index
    %get3A_95 = vector.load %arg10[%get3A_93, %get3A_94] : memref<128x1xf32, #tpu.memory_space<vmem>>, vector<128x1xf32>
    %dot_general3A_96 = arith.constant dense<0.000000e+00> : vector<64x1xf32>
    %dot_general3A_97 = tpu.matmul %max3A_92, %get3A_95, %dot_general3A_96 {dimension_numbers = #tpu.dot_dimension_numbers<[1], [0], [0], [1], [0, 0, 1, 1], [], []>, transpose_lhs_hint = false} : vector<64x128xf32>, vector<128x1xf32>, vector<64x1xf32> -> vector<64x1xf32>
    %get3A_98 = arith.constant 0 : index
    %get3A_99 = arith.constant 0 : index
    %get3A_100 = vector.load %arg11[%get3A_98, %get3A_99] : memref<1x1xf32, #tpu.memory_space<vmem>>, vector<1x1xf32>
    %add3A_101 = vector.broadcast %get3A_100 : vector<1x1xf32> to vector<64x1xf32>
    %add3A_102 = arith.addf %dot_general3A_97, %add3A_101 : vector<64x1xf32>
    %swap3A = arith.constant 0 : index
    %swap3A_103 = arith.constant 0 : index
    %swap3A_104 = vector.load %arg12[%swap3A, %swap3A_103] : memref<64x1xf32, #tpu.memory_space<vmem>>, vector<64x1xf32>
    tpu.vector_store %arg12[%swap3A, %swap3A_103], %add3A_102 {strides = array<i32>} : memref<64x1xf32, #tpu.memory_space<vmem>>, vector<64x1xf32>,
    return
  }
}

</mosaic_0001>

<sc_bundles>
// kernel: kernel.10.cloned.1.call-start
scs
__scs_entry_jumppad:
0x0: {  	(pc) =	sbr.rel $0x88, $3  }
0x1: {  	(tag) =	ssettag $0x0;
	lr =	simm.s32 $0x1  }
0x2: {  	[smem:$0x3F8D] =	sst lr;
	_ =	strace $0xD0000000  }
0x3: {  	_ = 	snop  }
0x4: {  	_ = 	snop  }
0x5: {  	_ = 	snop  }
0x6: {  	_ = 	snop  }
0x7: {  	_ = 	snop  }
__scs_overlays_trampoline_lowered:
0x8: {  	[smem:$0x3F9C] =	sst s0  }
0x9: {  	[smem:$0x3F9D] =	sst s1  }
0xa: {  	[smem:$0x3F9E] =	sst s2  }
0xb: {  	[smem:$0x3F9F] =	sst s3  }
0xc: {  	[smem:$0x3FA0] =	sst s4  }
0xd: {  	[smem:$0x3FA1] =	sst s5  }
0xe: {  	[smem:$0x3FA2] =	sst s6  }
0xf: {  	[smem:$0x3FA3] =	sst s7  }
0x10: {  	[smem:$0x3FA4] =	sst s8  }
0x11: {  	[smem:$0x3FA5] =	sst s9;
	s0 =	simm.s32 @!p0 $0x0  }
0x12: {  	s1 =	sld [smem:$0x3F8B];
	s0 =	simm.s32 @p0 $0x1  }
0x13: {  	[smem:$0x3FA6] =	sst s0;
	s0 =	simm.s32 @!p1 $0x0  }
0x14: {  	s2 =	sld [smem:$0x3F8A];
	s0 =	simm.s32 @p1 $0x1  }
0x15: {  	[smem:$0x3FA7] =	sst s0;
	s0 =	simm.s32 @!p2 $0x0  }
0x16: {  	s3 =	sld [smem:$0x3FDB];
	s0 =	simm.s32 @p2 $0x1  }
0x17: {  	s4 =	simm.s32 $0x1BF5;
	[smem:$0x3FA9] =	sst s0  }
0x18: {  	s0 =	sld [smem:$0x3F8C];
	_ =	swait.ge [sflag:s4], $0x0  }
0x19: {  	s7 =	sld [smem:$0x3F8D]  }
0x1a: {  	s8 =	sadd.s32 $0xFFFFE003, lr  }
0x1b: {  	s9 =	sadd.s32 $0xFFFFFEF7, lr;
	s5 =	simm.s32 $0xFFFFFFFF;
	p2 =	slt.u32 s8, $0xFFFFF086  }
0x1c: {  	p1 =	slt.u32 s9, $0xF7A;
	s5 =	simm.s32 @!p2 $0x0  }
0x1d: {  	s5 =	simm.s32 @p1 $0x1;
	p0 =	seq.s32 s7, s2  }
0x1e: {  	s7 =	smul.u32 @!p0 $0xF7A, s2;
	p2 =	seq.s32 @!p0 s5, $0x0  }
0x1f: {  	s9 =	smul.u32 $0xF7A, s1;
	s8 =	simm.s32 @!p0 $0x1BF5;
	p2 =	por !p2, p0  }
0x20: {  	[sflag:s8] =	ssyncset.s32 @!p0 $0xFFFFF086;
	s6 =	sadd.s32 @!p0 s3, s7;
	s7 =	simm.s32 @!p0 $0x108  }
0x21: {  	s3 =	sadd.s32 s3, s9;
	s6 =	sadd.s32 @!p0 $0x88, s6;
	s7 =	simm.s32 @p2 $0x1082  }
0x22: {  	[simem:s7], [sflag:s8] =	dma.local @!p0 [hbm:s6], $0xF7A  }
0x23: {  	s9 =	sor.u32 $0xD0000000, s2;
	s6 =	simm.s32 $0x108;
	_ =	swait.ge @!p0 [sflag:s8], $0x0  }
0x24: {  	s3 =	sadd.s32 $0x88, s3;
	s6 =	simm.s32 @!p1 $0x1082;
	[sflag:s4] =	ssyncset.s32 $0xFFFFF086  }
0x25: {  	[simem:s6], [sflag:s4] =	dma.local [hbm:s3], $0xF7A  }
0x26: {  	[smem:$0x3F8D] =	sst s1;
	(tag) =	ssettag s2;
	_ =	strace s9  }
0x27: {  	s1 =	sld [smem:$0x3F9D]  }
0x28: {  	s2 =	sld [smem:$0x3F9E]  }
0x29: {  	s4 =	sld [smem:$0x3FA0]  }
0x2a: {  	p0 =	seq.s32 s5, $0x0;
	s5 =	sld [smem:$0x3FA1]  }
0x2b: {  	s6 =	sld [smem:$0x3FA2]  }
0x2c: {  	s7 =	sld [smem:$0x3FA3]  }
0x2d: {  	s3 =	simm.s32 $0x108;
	s8 =	sld [smem:$0x3FA4]  }
0x2e: {  	s3 =	simm.s32 @!p0 $0x1082;
	s9 =	sld [smem:$0x3FA5]  }
0x2f: {  	lr =	sadd.s32 s0, s3;
	s0 =	sld [smem:$0x3F9C]  }
0x30: {  	s3 =	sld [smem:$0x3F9F]  }
0x31: {  	[smem:$0x3FA8] =	sst s10  }
0x32: {  	s10 =	sld [smem:$0x3FA6];
	_ =	sdelay $0x3  }
0x33: {  	p0 =	seq.s32 s10, $0x1;
	s10 =	sld [smem:$0x3FA8];
	_ =	sdelay $0x3  }
0x34: {  	[smem:$0x3FA8] =	sst s10  }
0x35: {  	s10 =	sld [smem:$0x3FA7];
	_ =	sdelay $0x3  }
0x36: {  	p1 =	seq.s32 s10, $0x1;
	s10 =	sld [smem:$0x3FA8];
	_ =	sdelay $0x3  }
0x37: {  	[smem:$0x3FA8] =	sst s10  }
0x38: {  	s10 =	sld [smem:$0x3FA9]  }
0x39: {  	_ = 	snop;
	(pc) =	sbr.ind lr, $3  }
0x3a: {  	_ = 	snop  }
0x3b: {  	_ = 	snop  }
0x3c: {  	p2 =	seq.s32 s10, $0x1;
	s10 =	sld [smem:$0x3FA8]  }
0x3d: {  	_ =	shalt  }
0x3e: {  	_ =	shalt  }
0x3f: {  	_ =	shalt  }
0x40: {  	_ =	shalt  }
0x41: {  	_ =	shalt  }
0x42: {  	_ =	shalt  }
0x43: {  	_ =	shalt  }
0x44: {  	_ =	shalt  }
0x45: {  	_ =	shalt  }
0x46: {  	_ =	shalt  }
0x47: {  	_ =	shalt  }
0x48: {  	_ =	shalt  }
0x49: {  	_ =	shalt  }
0x4a: {  	_ =	shalt  }
0x4b: {  	_ =	shalt  }
0x4c: {  	_ =	shalt  }
0x4d: {  	_ =	shalt  }
0x4e: {  	_ =	shalt  }
0x4f: {  	_ =	shalt  }
0x50: {  	_ =	shalt  }
0x51: {  	_ =	shalt  }
0x52: {  	_ =	shalt  }
0x53: {  	_ =	shalt  }
0x54: {  	_ =	shalt  }
0x55: {  	_ =	shalt  }
0x56: {  	_ =	shalt  }
0x57: {  	_ =	shalt  }
0x58: {  	_ =	shalt  }
0x59: {  	_ =	shalt  }
0x5a: {  	_ =	shalt  }
0x5b: {  	_ =	shalt  }
0x5c: {  	_ =	shalt  }
0x5d: {  	_ =	shalt  }
0x5e: {  	_ =	shalt  }
0x5f: {  	_ =	shalt  }
0x60: {  	_ =	shalt  }
0x61: {  	_ =	shalt  }
0x62: {  	_ =	shalt  }
0x63: {  	_ =	shalt  }
0x64: {  	_ =	shalt  }
0x65: {  	_ =	shalt  }
0x66: {  	_ =	shalt  }
0x67: {  	_ =	shalt  }
0x68: {  	_ =	shalt  }
0x69: {  	_ =	shalt  }
0x6a: {  	_ =	shalt  }
0x6b: {  	_ =	shalt  }
0x6c: {  	_ =	shalt  }
0x6d: {  	_ =	shalt  }
0x6e: {  	_ =	shalt  }
0x6f: {  	_ =	shalt  }
0x70: {  	_ =	shalt  }
0x71: {  	_ =	shalt  }
0x72: {  	_ =	shalt  }
0x73: {  	_ =	shalt  }
0x74: {  	_ =	shalt  }
0x75: {  	_ =	shalt  }
0x76: {  	_ =	shalt  }
0x77: {  	_ =	shalt  }
0x78: {  	_ =	shalt  }
0x79: {  	_ =	shalt  }
0x7a: {  	_ =	shalt  }
0x7b: {  	_ =	shalt  }
0x7c: {  	_ =	shalt  }
0x7d: {  	_ =	shalt  }
0x7e: {  	_ =	shalt  }
0x7f: {  	_ =	shalt  }
0x80: {  	_ =	shalt  }
0x81: {  	_ =	shalt  }
0x82: {  	_ =	shalt  }
0x83: {  	_ =	shalt  }
0x84: {  	_ =	shalt  }
0x85: {  	_ =	shalt  }
0x86: {  	_ =	shalt  }
0x87: {  	_ =	shalt  }
.Lfunc_end0:
.L_simem_size_0:
called_computation.1_lowered:
.L_overlay_start_0:
0x88: {  	s2 =	sld [smem:$0x3FD9]  }
0x89: {  	s3 =	sld [smem:$0x3FFE];
	_ =	sdelay $0x1  }
0x8a: {  	s1 =	srdreg.scid  }
0x8b: {  	s0 =	sand.u32 $0x1, s1  }
0x8c: {  	s16 =	sshll.u32 s0, $0xA;
	s2 =	sadd.s32 s3, s2  }
0x8d: {  	s2 =	sadd.s32 s2, s16  }
0x8e: {  	[smem:$0x3FB4] =	sst s2  }
0x8f: {  	_ = 	snop  }
0x90: {  	(tm) =	ssettm $0x1  }
0x91: {  	s17 =	sld [smem:$0x3FFB];
	_ =	sdelay $0x3  }
0x92: {  	_ =	strace s17  }
0x93: {  	s2 =	sld [smem:$0x3FFC];
	_ =	sdelay $0x3  }
0x94: {  	_ =	strace s2  }
0x95: {  	s2 =	sld [smem:$0x3FFD];
	_ =	sdelay $0x3  }
0x96: {  	_ =	strace s2  }
0x97: {  	_ =	strace $0x8FFFFFFF  }
0x98: {  	s18 =	sld [smem:$0x3FDB];
	_ =	sdelay $0x1  }
0x99: {  	s19 =	simm.s32 $_scs_section_size  }
0x9a: {  	s4 =	simm.s32 $_size__tile_overlayer_lowered;
	s5 =	simm.s32 $_tile_overlayer_lowered  }
0x9b: {  	s22 =	simm.s32 $0x1BFF;
	s21 =	sshll.u32 s5, $0x1;
	s2 =	sadd.s32 s19, s18  }
0x9c: {  	s6 =	simm.s32 $0x0;
	s20 =	sshll.u32 s4, $0x1;
	s4 =	sadd.s32 s21, s2  }
0x9d: {  	[timem:s6], [sflag:s22] =	dma.local [hbm:s4], s20  }
0x9e: {  	_ =	swait.ge [sflag:s22], s20  }
0x9f: {  	s3 =	ssub.s32 $0x0, s20;
	[sflag:s22] =	ssyncset.done $0x0  }
0xa0: {  	[sflag:s22] =	ssyncadd.s32 s3;
	_ =	sdelay $0x1  }
0xa1: {  	s23 =	simm.s32 $0x1B8B  }
0xa2: {  	_ =	swait.ge [sflag:s23], $0x1  }
0xa3: {  	[sflag:s23] =	ssyncset.done $0x0  }
0xa4: {  	s25 =	simm.s32 $0x1B8E;
	s24 =	sld [smem:$0x3FFE];
	[sflag:s23] =	ssyncadd.s32 $0xFFFFFFFF  }
0xa5: {  	s26 =	simm.s32 $execute0_lowered;
	[smem:$0x3FD2] =	sst s25  }
0xa6: {  	s4 =	sshll.u32 s26, $0x1;
	_ =	strace $0x80000049;
	[dreg:$0x1] =	wrdreg $0xFFFFFFFF  }
0xa7: {  	s28 =	simm.s32 $_size_execute0_lowered;
	s2 =	sadd.s32 s2, s4;
	[dreg:$0x0] =	wrdreg $0x0  }
0xa8: {  	s4 =	sshll.u32 s28, $0x1;
	[dreg:$0x2] =	wrdreg s2  }
0xa9: {  	[dreg:$0x3] =	wrdreg s4  }
0xaa: {  	[dreg:$0x4] =	wrdreg $0xC0  }
0xab: {  	_ =	task [dreg:s6], $0x5FFFF  }
0xac: {  	[dreg:$0x1] =	wrdreg $0xFFFFFFFF  }
0xad: {  	[dreg:$0x0] =	wrdreg $0x60  }
0xae: {  	[dreg:$0x2] =	wrdreg s24  }
0xaf: {  	[dreg:$0x3] =	wrdreg $0xC3A00  }
0xb0: {  	[dreg:$0x4] =	wrdreg $0x113A00  }
0xb1: {  	[dreg:$0x5] =	wrdreg $0x9  }
0xb2: {  	_ =	task.clear_ibuf [dreg:s6], $0x6FFFF;
	_ =	strace $0x90000049  }
0xb3: {  	s29 =	simm.s32 $0x9;
	_ =	strace $0x8000004B  }
0xb4: {  	_ =	swait.ge [sflag:s29], $0x1  }
0xb5: {  	[sflag:s29] =	ssyncadd.s32 $0xFFFFFFFF  }
0xb6: {  	_ =	strace $0x9000004B  }
0xb7: {  	_ =	sfence  }
0xb8: {  	s30 =	sld [smem:$0x0];
	_ =	sdelay $0x2  }
0xb9: {  	s31 =	sshll.u32 s1, $0xD;
	s1 =	sshrl.u32 s1, $0x2  }
0xba: {  	s3 =	sand.u32 $0x4000, s31;
	s1 =	sadd.s32 s1, s30  }
0xbb: {  	s0 =	sor.u32 s3, s0;
	s1 =	sshll.u32 s1, $0x11  }
0xbc: {  	s0 =	sor.u32 s1, s0  }
0xbd: {  	s0 =	sadd.s32 $0x8F2B, s0  }
0xbe: {  	[sflag:s0] =	ssyncadd.remote.s32 $0x1  }
0xbf: {  	_ =	sfence.sel $0xFFFF  }
0xc0: {  	[dreg:$0x0] =	wrdreg $0xFFFFFFFF;
	(pc) =	sbr.abs _section_cstart, $3  }
0xc1: {  	[dreg:$0x1] =	wrdreg $0xFFFFFFFF  }
0xc2: {  	_ =	task.clear_ibuf [dreg:s6], $0x2FFFF;
	_ =	strace $0x9FFFFFFF  }
0xc3: {  	(tm) =	ssettm $0x7FFFFFFF  }
tec
execute0_lowered:
.L_overlay_start_1:
0x0: {  	(tag) =	ssettag $0x1  }
0x1: {  	s1 =	rddreg [dreg:$0x0]  }
0x2: {  	s0 =	srdreg.scid;
	s2 =	rddreg [dreg:$0x1]  }
0x3: {  	s16 =	stileid.u32;
	s3 =	rddreg [dreg:$0x2]  }
0x4: {  	s28 =	simm.s32 $0x3;
	s29 =	simm.s32 $0x5;
	s8 =	smul.u32 $0x5000, s16  }
0x5: {  	s30 =	simm.s32 $0x4;
	s31 =	simm.s32 $0x6;
	s9 =	smul.u32 $0x2800, s16  }
0x6: {  	s0 =	sand.u32 $0x1, s0;
	s5 =	sadd.s32 $0x2AF600, s1;
	s20 =	smul.u32 $0x2710, s16  }
0x7: {  	s14 =	sadd.s32 $0x1C600, s1;
	s26 =	sshll.u32 s16, $0x6;
	s10 =	smul.u32 $0x50000, s0  }
0x8: {  	s4 =	sshll.u32 s0, $0x4;
	s13 =	smul.u32 $0x28000, s0;
	s17 =	ssub.s32 $0x2, s0  }
0x9: {  	s0 =	smul.u32 $0x27100, s0;
	s6 =	sor.u32 s16, s4;
	s4 =	simm.s32 $0x0  }
0xa: {  	s11 =	sshrl.u32 s8, $0x3;
	s12 =	sshrl.u32 s9, $0x3;
	s18 =	sshrl.u32 s17, $0x1  }
0xb: {  	s21 =	sadd.s32 s9, s3;
	s7 =	smul.u32 $0x4EC, s6;
	[smem:$0x7FF] =	sst s4  }
0xc: {  	s11 =	sadd.s32 s11, s1;
	s12 =	sadd.s32 s12, s1;
	s15 =	smul.u32 $0x4E200, s6  }
0xd: {  	s10 =	sadd.s32 s8, s10;
	s13 =	sadd.s32 s9, s13;
	s6 =	smul.u32 $0x9C40, s6  }
0xe: {  	s0 =	sadd.s32 s20, s0;
	s21 =	sshrl.u32 s21, $0x3;
	_ =	strace $0x8000004A  }
0xf: {  	[dreg:$0x4] =	wrdreg s14;
	s10 =	sshrl.u32 s10, $0x3;
	s13 =	sshrl.u32 s13, $0x3  }
0x10: {  	s19 =	sadd.s32 $0xD600, s11;
	s12 =	sadd.s32 $0x17600, s12;
	s0 =	sshll.u32 s0, $0x2  }
0x11: {  	s7 =	sadd.s32 s7, s1;
	s10 =	sadd.s32 s10, s1;
	s1 =	sadd.s32 s13, s1  }
0x12: {  	s13 =	ssub.s32 s17, s18;
	[dreg:$0x6] =	wrdreg s19;
	s22 =	sshrl.u32 s15, $0x3  }
0x13: {  	[dreg:$0x7] =	wrdreg s12;
	s6 =	sadd.s32 s5, s6;
	s14 =	sadd.s32 $0xFA0, s0  }
0x14: {  	s17 =	simm.s32 $0x7;
	s18 =	simm.s32 $0xA460;
	s19 =	sor.u32 $0x1C07, s26  }
0x15: {  	s26 =	simm.s32 $0x2568;
	s7 =	sadd.s32 $0x3800, s7;
	[dreg:$0x8] =	wrdreg s6  }
0x16: {  	s9 =	sadd.s32 s5, s22;
	s24 =	sadd.s32 $0x26A00, s10;
	[dreg:$0x5] =	wrdreg s7  }
0x17: {  	s1 =	sadd.s32 $0x1CA00, s1;
	s25 =	smax.u32 s13, $0x1;
	[dreg:$0xa] =	wrdreg s24  }
0x18: {  	s22 =	simm.s32 $0x2760;
	s7 =	sadd.s32 s8, s2;
	[dreg:$0xb] =	wrdreg s1  }
0x19: {  	s23 =	sadd.s32 $0x7D0, s9;
	[dreg:$0xc] =	wrdreg s25;
	s9 =	sadd.s32 s14, s5  }
0x1a: {  	s24 =	simm.s32 $0x65E0;
	s25 =	simm.s32 $0x2;
	s1 =	simm.s32 $0x0  }
0x1b: {  	[dreg:$0x9] =	wrdreg s23;
	s20 =	sshrl.u32 s7, $0x3;
	s23 =	simm.s32 $0x1F4  }
.LBB2_1:
0x1c: {  	s0 =	rddreg [dreg:$0x5]  }
0x1d: {  	[tilespmem:s4], [sflag:$0x7] =	stream.linear.gather [hbm4b:s0+s4], $0x2760, $0x38;
	[tilespmem:$0x13BA0] =	vst v63  }
0x1e: {  	_ =	swait.ge [sflag:s17], $0x2760  }
0x1f: {  	[sflag:s17] =	ssyncset.done $0x0  }
0x20: {  	s10 =	rddreg [dreg:$0x4];
	[sflag:s17] =	ssyncadd.s32 $0xFFFFD8A0  }
0x21: {  	[tilespmem:s18], [sflag:$0x7] =	stream.linear.gather [hbm4b:s10+s4], $0x1F40, $0x38;
	[tilespmem:$0x13BA0] =	vst v63  }
0x22: {  	_ =	swait.ge [sflag:s17], $0x1F40  }
0x23: {  	[sflag:s17] =	ssyncset.done $0x0  }
0x24: {  	s11 =	rddreg [dreg:$0x6];
	[sflag:s17] =	ssyncadd.s32 $0xFFFFE0C0  }
0x25: {  	[spmem:s20], [sflag:s19] =	dma.local [hbm:s11], $0xA00  }
0x26: {  	_ =	swait.ge [sflag:s17], $0xA00  }
0x27: {  	[sflag:s17] =	ssyncset.done $0x0  }
0x28: {  	s12 =	rddreg [dreg:$0x7];
	[sflag:s17] =	ssyncadd.s32 $0xFFFFF600  }
0x29: {  	[spmem:s21], [sflag:s19] =	dma.local [hbm:s12], $0x500  }
0x2a: {  	_ =	swait.ge [sflag:s17], $0x500  }
0x2b: {  	[sflag:s17] =	ssyncset.done $0x0  }
0x2c: {  	[sflag:s17] =	ssyncadd.s32 $0xFFFFFB00  }
0x2d: {  	[bflag:$0x0] =	sbarrier.arrive $0xFFFF  }
0x2e: {  	s15 =	simm.s32 $0x1;
	s13 =	rddreg [dreg:$0x8]  }
0x2f: {  	[tilespmem:s22], [sflag:$0x1] =	stream.linear.gather [hbm4b:s13+s4], $0x3E80, $0x38;
	[tilespmem:$0x13BA0] =	vst v63  }
0x30: {  	_ =	swait.ge [sflag:s15], $0x3E80  }
0x31: {  	[sflag:s15] =	ssyncset.done $0x0  }
0x32: {  	s0 =	sand.u32 $0x1, s15;
	[sflag:s15] =	ssyncadd.s32 $0xFFFFC180  }
0x33: {  	[spmem:s2] =	stream.indirect.scatter.add.f32 [tilespmem:s22], [sflag:$0x3], $0x20, s4, s23, $0xb8;
	[tilespmem:$0x13BA0] =	vst v63  }
0x34: {  	p0 =	seq.s32 s0, $0x1  }
0x35: {  	[spmem:s3] =	stream.indirect.scatter.add.f32 [tilespmem:s18], [sflag:$0x5], $0x10, s4, s23, $0xb8;
	[tilespmem:$0x13BA0] =	vst v63  }
0x36: {  	s0 =	simm.s32 @p0 $0x2;
	s6 =	rddreg [dreg:$0x9]  }
0x37: {  	[tilespmem:s24], [sflag:$0x2] =	stream.linear.gather [hbm4b:s6+s4], $0x3E80, $0x38;
	[tilespmem:$0x13BA0] =	vst v63  }
0x38: {  	_ =	swait.ge @p0 [sflag:s0], $0x3E80  }
0x39: {  	s6 =	simm.s32 $0x1F8;
	[sflag:s0] =	ssyncset.done @p0 $0x0;
	p0 =	por p0, p0  }
0x3a: {  	[sflag:s0] =	ssyncadd.s32 @p0 $0xFFFFC180;
	s0 =	simm.s32 @p0 $0x1F4;
	s7 =	simm.s32 @p0 $0x65E0  }
0x3b: {  	[spmem:s2] =	stream.indirect.scatter.add.f32 @p0 [tilespmem:s7], [sflag:$0x4], $0x20, s6, s0, $0xb8;
	[tilespmem:$0x13BA0] =	vst v63  }
0x3c: {  	s8 =	simm.s32 @p0 $0x3;
	s7 =	simm.s32 @p0 $0xA460  }
0x3d: {  	[spmem:s3] =	stream.indirect.scatter.add.f32 @p0 [tilespmem:s7], [sflag:$0x6], $0x10, s6, s0, $0xb8;
	[tilespmem:$0x13BA0] =	vst v63  }
0x3e: {  	_ =	swait.ge @p0 [sflag:s8], $0x3E80  }
0x3f: {  	[sflag:s8] =	ssyncset.done @p0 $0x0  }
0x40: {  	s0 =	simm.s32 @p0 $0x5;
	[sflag:s8] =	ssyncadd.s32 @p0 $0xFFFFC180  }
0x41: {  	s10 =	simm.s32 @p0 $0x2760;
	_ =	swait.ge @p0 [sflag:s0], $0x1F40  }
0x42: {  	s7 =	simm.s32 @!p0 $0x1;
	s8 =	sand.u32 @p0 $0x1FFFFFE0, s14;
	[sflag:s0] =	ssyncset.done @p0 $0x0  }
0x43: {  	s8 =	sadd.s32 @p0 s5, s8;
	[sflag:s0] =	ssyncadd.s32 @p0 $0xFFFFE0C0;
	s0 =	simm.s32 @p0 $0x0  }
0x44: {  	[tilespmem:s10], [sflag:$0x1] =	stream.linear.gather @p0 [hbm4b:s8+s0], $0x3E80, $0x38;
	[tilespmem:$0x13BA0] =	vst v63  }
0x45: {  	_ =	swait.ge @!p0 [sflag:s7], $0x3E80  }
0x46: {  	s12 =	simm.s32 $0x2;
	[sflag:s7] =	ssyncset.done @!p0 $0x0  }
0x47: {  	s0 =	simm.s32 @!p0 $0x1F4;
	[sflag:s7] =	ssyncadd.s32 @!p0 $0xFFFFC180;
	s7 =	simm.s32 @!p0 $0x2760  }
0x48: {  	[spmem:s2] =	stream.indirect.scatter.add.f32 @!p0 [tilespmem:s7], [sflag:$0x3], $0x20, s6, s0, $0xb8;
	[tilespmem:$0x13BA0] =	vst v63  }
0x49: {  	s16 =	sand.u32 $0x1, s12;
	s10 =	simm.s32 @!p0 $0x4;
	s7 =	simm.s32 @!p0 $0xA460  }
0x4a: {  	[spmem:s3] =	stream.indirect.scatter.add.f32 @!p0 [tilespmem:s7], [sflag:$0x5], $0x10, s6, s0, $0xb8;
	[tilespmem:$0x13BA0] =	vst v63  }
0x4b: {  	p2 =	seq.s32 s16, $0x1;
	_ =	swait.ge @!p0 [sflag:s10], $0x3E80  }
0x4c: {  	s16 =	smov.u32 s9;
	s11 =	simm.s32 @!p0 $0x6;
	[sflag:s10] =	ssyncset.done @!p0 $0x0  }
0x4d: {  	s12 =	simm.s32 @!p0 $0x65E0;
	s13 =	simm.s32 @!p0 $0x0;
	[sflag:s10] =	ssyncadd.s32 @!p0 $0xFFFFC180  }
0x4e: {  	s8 =	simm.s32 $0x3;
	s6 =	simm.s32 $0x3F0;
	_ =	swait.ge @!p0 [sflag:s11], $0x1F40  }
0x4f: {  	s0 =	sadd.s32 $0x7D0, s9;
	s7 =	sadd.s32 $0x7D0, s14;
	[sflag:s11] =	ssyncset.done @!p0 $0x0  }
.LBB2_2:
0x50: {  	s15 =	simm.s32 @p2 $0x2  }
0x51: {  	[sflag:s11] =	ssyncadd.s32 @!p0 $0xFFFFE0C0;
	s10 =	smov.u32 s8;
	s8 =	sadd.s32 $0x1, s8  }
0x52: {  	[tilespmem:s12], [sflag:$0x2] =	stream.linear.gather @!p0 [hbm4b:s16+s13], $0x3E80, $0x38;
	[tilespmem:$0x13BA0] =	vst v63  }
0x53: {  	p1 =	sne.s32 s8, $0x13;
	s16 =	smov.u32 s0;
	_ =	swait.ge @p2 [sflag:s15], $0x3E80  }
0x54: {  	p0 =	por p2, p2;
	[sflag:s15] =	ssyncset.done @p2 $0x0  }
0x55: {  	s11 =	simm.s32 @p0 $0x1F4;
	s12 =	simm.s32 @p0 $0x65E0;
	[sflag:s15] =	ssyncadd.s32 @p0 $0xFFFFC180  }
0x56: {  	[spmem:s2] =	stream.indirect.scatter.add.f32 @p0 [tilespmem:s12], [sflag:$0x4], $0x20, s6, s11, $0xb8;
	[tilespmem:$0x13BA0] =	vst v63  }
0x57: {  	s13 =	simm.s32 @p0 $0x3;
	s12 =	simm.s32 @p0 $0xA460  }
0x58: {  	[spmem:s3] =	stream.indirect.scatter.add.f32 @p0 [tilespmem:s12], [sflag:$0x6], $0x10, s6, s11, $0xb8;
	[tilespmem:$0x13BA0] =	vst v63  }
0x59: {  	_ =	swait.ge @p0 [sflag:s13], $0x3E80  }
0x5a: {  	[sflag:s13] =	ssyncset.done @p0 $0x0  }
0x5b: {  	s11 =	simm.s32 @p0 $0x5;
	[sflag:s13] =	ssyncadd.s32 @p0 $0xFFFFC180  }
0x5c: {  	s12 =	simm.s32 @!p0 $0x1;
	_ =	swait.ge @p0 [sflag:s11], $0x1F40  }
0x5d: {  	s15 =	simm.s32 @p0 $0x2760;
	s13 =	sand.u32 @p0 $0x1FFFFFE0, s7;
	[sflag:s11] =	ssyncset.done @p0 $0x0  }
0x5e: {  	s13 =	sadd.s32 @p0 s5, s13;
	[sflag:s11] =	ssyncadd.s32 @p0 $0xFFFFE0C0;
	s11 =	simm.s32 @p0 $0x0  }
0x5f: {  	[tilespmem:s15], [sflag:$0x1] =	stream.linear.gather @p0 [hbm4b:s13+s11], $0x3E80, $0x38;
	[tilespmem:$0x13BA0] =	vst v63  }
0x60: {  	_ =	swait.ge @!p0 [sflag:s12], $0x3E80  }
0x61: {  	[sflag:s12] =	ssyncset.done @!p0 $0x0  }
0x62: {  	s11 =	simm.s32 @!p0 $0x1F4;
	[sflag:s12] =	ssyncadd.s32 @!p0 $0xFFFFC180;
	s12 =	simm.s32 @!p0 $0x2760  }
0x63: {  	[spmem:s2] =	stream.indirect.scatter.add.f32 @!p0 [tilespmem:s12], [sflag:$0x3], $0x20, s6, s11, $0xb8;
	[tilespmem:$0x13BA0] =	vst v63  }
0x64: {  	s13 =	simm.s32 @!p0 $0x4;
	s12 =	simm.s32 @!p0 $0xA460  }
0x65: {  	[spmem:s3] =	stream.indirect.scatter.add.f32 @!p0 [tilespmem:s12], [sflag:$0x5], $0x10, s6, s11, $0xb8;
	[tilespmem:$0x13BA0] =	vst v63  }
.Ltmp0:
0x66: {  	_ =	swait.ge @!p0 [sflag:s13], $0x3E80;
	(pc) =	sbr.rel @p1 .LBB2_2-.Ltmp0, $4  }
0x67: {  	s0 =	sadd.s32 $0x7D0, s0;
	s6 =	sadd.s32 $0x1F8, s6;
	[sflag:s13] =	ssyncset.done @!p0 $0x0  }
0x68: {  	s7 =	sadd.s32 $0x7D0, s7;
	s11 =	simm.s32 @!p0 $0x6;
	[sflag:s13] =	ssyncadd.s32 @!p0 $0xFFFFC180  }
0x69: {  	s10 =	sand.u32 $0x1, s10;
	s12 =	simm.s32 @!p0 $0x65E0;
	_ =	swait.ge @!p0 [sflag:s11], $0x1F40  }
0x6a: {  	p2 =	seq.s32 s10, $0x1;
	s13 =	simm.s32 @!p0 $0x0;
	[sflag:s11] =	ssyncset.done @!p0 $0x0  }
0x6b: {  	[sflag:s11] =	ssyncadd.s32 @!p0 $0xFFFFE0C0;
	s8 =	simm.s32 @p2 $0x2  }
0x6c: {  	[tilespmem:s12], [sflag:$0x2] =	stream.linear.gather @!p0 [hbm4b:s16+s13], $0x3E80, $0x38;
	[tilespmem:$0x13BA0] =	vst v63  }
0x6d: {  	_ =	swait.ge @p2 [sflag:s8], $0x3E80  }
0x6e: {  	p0 =	por p2, p2;
	[sflag:s8] =	ssyncset.done @p2 $0x0  }
0x6f: {  	s10 =	simm.s32 @p0 $0x65E0;
	[sflag:s8] =	ssyncadd.s32 @p0 $0xFFFFC180;
	s8 =	simm.s32 @p0 $0x1F4  }
0x70: {  	[spmem:s2] =	stream.indirect.scatter.add.f32 @p0 [tilespmem:s10], [sflag:$0x4], $0x20, s6, s8, $0xb8;
	[tilespmem:$0x13BA0] =	vst v63  }
0x71: {  	s10 =	simm.s32 @p0 $0xA460  }
0x72: {  	[spmem:s3] =	stream.indirect.scatter.add.f32 @p0 [tilespmem:s10], [sflag:$0x6], $0x10, s6, s8, $0xb8;
	[tilespmem:$0x13BA0] =	vst v63  }
0x73: {  	s8 =	simm.s32 @p0 $0x3  }
0x74: {  	_ =	swait.ge @p0 [sflag:s8], $0x3E80  }
0x75: {  	[sflag:s8] =	ssyncset.done @p0 $0x0  }
0x76: {  	[sflag:s8] =	ssyncadd.s32 @p0 $0xFFFFC180;
	s8 =	simm.s32 @p0 $0x5  }
0x77: {  	s7 =	sand.u32 @p0 $0x1FFFFFE0, s7;
	_ =	swait.ge @p0 [sflag:s8], $0x1F40  }
0x78: {  	s7 =	sadd.s32 @p0 s5, s7;
	[sflag:s8] =	ssyncset.done @p0 $0x0  }
0x79: {  	s10 =	simm.s32 @p0 $0x2760;
	[sflag:s8] =	ssyncadd.s32 @p0 $0xFFFFE0C0;
	s8 =	simm.s32 @p0 $0x0  }
0x7a: {  	[tilespmem:s10], [sflag:$0x1] =	stream.linear.gather @p0 [hbm4b:s7+s8], $0x3E80, $0x38;
	[tilespmem:$0x13BA0] =	vst v63  }
0x7b: {  	s7 =	simm.s32 @!p0 $0x1  }
0x7c: {  	_ =	swait.ge @!p0 [sflag:s7], $0x3E80  }
0x7d: {  	[sflag:s7] =	ssyncset.done @!p0 $0x0  }
0x7e: {  	s8 =	simm.s32 @!p0 $0x2760;
	[sflag:s7] =	ssyncadd.s32 @!p0 $0xFFFFC180;
	s7 =	simm.s32 @!p0 $0x1F4  }
0x7f: {  	[spmem:s2] =	stream.indirect.scatter.add.f32 @!p0 [tilespmem:s8], [sflag:$0x3], $0x20, s6, s7, $0xb8;
	[tilespmem:$0x13BA0] =	vst v63  }
0x80: {  	s8 =	simm.s32 @!p0 $0xA460  }
0x81: {  	[spmem:s3] =	stream.indirect.scatter.add.f32 @!p0 [tilespmem:s8], [sflag:$0x5], $0x10, s6, s7, $0xb8;
	[tilespmem:$0x13BA0] =	vst v63  }
0x82: {  	s6 =	simm.s32 @!p0 $0x4  }
0x83: {  	_ =	swait.ge @!p0 [sflag:s6], $0x3E80  }
0x84: {  	[sflag:s6] =	ssyncset.done @!p0 $0x0  }
0x85: {  	[sflag:s6] =	ssyncadd.s32 @!p0 $0xFFFFC180;
	s6 =	simm.s32 @!p0 $0x6  }
0x86: {  	_ =	swait.ge @!p0 [sflag:s6], $0x1F40  }
0x87: {  	[sflag:s6] =	ssyncset.done @!p0 $0x0  }
0x88: {  	s7 =	simm.s32 @!p0 $0x65E0;
	[sflag:s6] =	ssyncadd.s32 @!p0 $0xFFFFE0C0;
	s6 =	simm.s32 @!p0 $0x0  }
0x89: {  	[tilespmem:s7], [sflag:$0x2] =	stream.linear.gather @!p0 [hbm4b:s0+s6], $0x3E80, $0x38;
	[tilespmem:$0x13BA0] =	vst v63  }
0x8a: {  	_ =	swait.ge [sflag:s25], $0x3E80  }
0x8b: {  	[sflag:s25] =	ssyncset.done $0x0  }
0x8c: {  	[sflag:s25] =	ssyncadd.s32 $0xFFFFC180  }
0x8d: {  	[spmem:s2] =	stream.indirect.scatter.add.f32 [tilespmem:s24], [sflag:$0x4], $0x20, s26, s23, $0xb8;
	[tilespmem:$0x13BA0] =	vst v63  }
0x8e: {  	_ = 	snop  }
0x8f: {  	[spmem:s3] =	stream.indirect.scatter.add.f32 [tilespmem:s18], [sflag:$0x6], $0x10, s26, s23, $0xb8;
	[tilespmem:$0x13BA0] =	vst v63  }
0x90: {  	_ =	swait.ge [sflag:s28], $0x3E80  }
0x91: {  	[sflag:s28] =	ssyncset.done $0x0  }
0x92: {  	[sflag:s28] =	ssyncadd.s32 $0xFFFFC180  }
0x93: {  	_ =	swait.ge [sflag:s29], $0x1F40  }
0x94: {  	[sflag:s29] =	ssyncset.done $0x0  }
0x95: {  	[sflag:s29] =	ssyncadd.s32 $0xFFFFE0C0  }
0x96: {  	_ =	swait.ge [sflag:s30], $0x3E80  }
0x97: {  	[sflag:s30] =	ssyncset.done $0x0  }
0x98: {  	[sflag:s30] =	ssyncadd.s32 $0xFFFFC180  }
0x99: {  	_ =	swait.ge [sflag:s31], $0x1F40  }
0x9a: {  	[sflag:s31] =	ssyncset.done $0x0  }
0x9b: {  	[sflag:s31] =	ssyncadd.s32 $0xFFFFE0C0  }
0x9c: {  	[bflag:$0x0] =	sbarrier.arrive $0xFFFF  }
0x9d: {  	s13 =	rddreg [dreg:$0xa]  }
0x9e: {  	[hbm:s13], [sflag:s19] =	dma.local [spmem:s20], $0xA00  }
0x9f: {  	_ =	swait.ge [sflag:s17], $0xA00  }
0xa0: {  	[sflag:s17] =	ssyncset.done $0x0  }
0xa1: {  	s15 =	rddreg [dreg:$0xb];
	[sflag:s17] =	ssyncadd.s32 $0xFFFFF600  }
0xa2: {  	[hbm:s15], [sflag:s19] =	dma.local [spmem:s21], $0x500  }
0xa3: {  	_ =	swait.ge [sflag:s17], $0x500  }
0xa4: {  	s1 =	sadd.s32 $0x1, s1;
	s16 =	rddreg [dreg:$0xc]  }
0xa5: {  	p0 =	sne.s32 s1, s16  }
.Ltmp1:
0xa6: {  	_ = 	snop;
	(pc) =	sbr.rel @p0 .LBB2_1-.Ltmp1, $3  }
0xa7: {  	_ =	sdelay $0x1  }
0xa8: {  	[sflag:s17] =	ssyncset.done $0x0  }
0xa9: {  	[sflag:s17] =	ssyncadd.s32 $0xFFFFFB00  }
0xaa: {  	_ =	sfence.sel $0x180000  }
0xab: {  	[bflag:$0x0] =	sbarrier.arrive $0xFFFF  }
0xac: {  	_ =	strace $0x9000004A  }
0xad: {  	s0 =	stileid.u32;
	[bflag:$0x2] =	sbarrier.arrive $0xFFFF  }
0xae: {  	p0 =	sne.s32 s0, $0x0;
	s0 =	rddreg [dreg:$0x3]  }
0xaf: {  	s0 =	sadd.s32 @!p0 $0x100000, s0  }
0xb0: {  	[sflag:s0] =	ssyncadd.tile.s32 @!p0 $0x1;
	_ =	shalt  }
.Lfunc_end2:
_tile_overlayer_lowered:
.L_overlay_start_2:
0xb1: {  	(tag) =	ssettag $0x2  }
0xb2: {  	s0 =	rddreg [dreg:$0x0];
	s2 =	stileid.u32  }
0xb3: {  	s1 =	rddreg [dreg:$0x1];
	p0 =	sne.s32 s2, $0x0  }
0xb4: {  	s3 =	rddreg [dreg:$0x2];
	[bflag:$0x3] =	sbarrier.arrive $0xFFFF;
	s2 =	simm.s32 @!p0 $0x1C07  }
0xb5: {  	[timem:s3], [sflag:s2] =	dma.local @!p0 [hbm:s0], s1  }
0xb6: {  	s0 =	simm.s32 @!p0 $0x7  }
0xb7: {  	_ =	swait.ge @!p0 [sflag:s0], s1  }
0xb8: {  	s1 =	ssub.s32 @!p0 $0x0, s1;
	[sflag:s0] =	ssyncset.done @!p0 $0x0  }
0xb9: {  	[sflag:s0] =	ssyncadd.s32 @!p0 s1  }
0xba: {  	[bflag:$0x3] =	sbarrier.arrive $0xFFFF  }
0xbb: {  	_ =	shalt  }

// kernel: kernel.7.cloned.1.call-start
scs
__scs_entry_jumppad:
0x0: {  	(pc) =	sbr.rel $0x88, $3  }
0x1: {  	(tag) =	ssettag $0x0;
	lr =	simm.s32 $0x1  }
0x2: {  	[smem:$0x3F8D] =	sst lr;
	_ =	strace $0xD0000000  }
0x3: {  	_ = 	snop  }
0x4: {  	_ = 	snop  }
0x5: {  	_ = 	snop  }
0x6: {  	_ = 	snop  }
0x7: {  	_ = 	snop  }
__scs_overlays_trampoline_lowered:
0x8: {  	[smem:$0x3F9C] =	sst s0  }
0x9: {  	[smem:$0x3F9D] =	sst s1  }
0xa: {  	[smem:$0x3F9E] =	sst s2  }
0xb: {  	[smem:$0x3F9F] =	sst s3  }
0xc: {  	[smem:$0x3FA0] =	sst s4  }
0xd: {  	[smem:$0x3FA1] =	sst s5  }
0xe: {  	[smem:$0x3FA2] =	sst s6  }
0xf: {  	[smem:$0x3FA3] =	sst s7  }
0x10: {  	[smem:$0x3FA4] =	sst s8  }
0x11: {  	[smem:$0x3FA5] =	sst s9;
	s0 =	simm.s32 @!p0 $0x0  }
0x12: {  	s1 =	sld [smem:$0x3F8B];
	s0 =	simm.s32 @p0 $0x1  }
0x13: {  	[smem:$0x3FA6] =	sst s0;
	s0 =	simm.s32 @!p1 $0x0  }
0x14: {  	s2 =	sld [smem:$0x3F8A];
	s0 =	simm.s32 @p1 $0x1  }
0x15: {  	[smem:$0x3FA7] =	sst s0;
	s0 =	simm.s32 @!p2 $0x0  }
0x16: {  	s3 =	sld [smem:$0x3FDB];
	s0 =	simm.s32 @p2 $0x1  }
0x17: {  	s4 =	simm.s32 $0x1BF5;
	[smem:$0x3FA9] =	sst s0  }
0x18: {  	s0 =	sld [smem:$0x3F8C];
	_ =	swait.ge [sflag:s4], $0x0  }
0x19: {  	s7 =	sld [smem:$0x3F8D]  }
0x1a: {  	s8 =	sadd.s32 $0xFFFFE003, lr  }
0x1b: {  	s9 =	sadd.s32 $0xFFFFFEF7, lr;
	s5 =	simm.s32 $0xFFFFFFFF;
	p2 =	slt.u32 s8, $0xFFFFF086  }
0x1c: {  	p1 =	slt.u32 s9, $0xF7A;
	s5 =	simm.s32 @!p2 $0x0  }
0x1d: {  	s5 =	simm.s32 @p1 $0x1;
	p0 =	seq.s32 s7, s2  }
0x1e: {  	s7 =	smul.u32 @!p0 $0xF7A, s2;
	p2 =	seq.s32 @!p0 s5, $0x0  }
0x1f: {  	s9 =	smul.u32 $0xF7A, s1;
	s8 =	simm.s32 @!p0 $0x1BF5;
	p2 =	por !p2, p0  }
0x20: {  	[sflag:s8] =	ssyncset.s32 @!p0 $0xFFFFF086;
	s6 =	sadd.s32 @!p0 s3, s7;
	s7 =	simm.s32 @!p0 $0x108  }
0x21: {  	s3 =	sadd.s32 s3, s9;
	s6 =	sadd.s32 @!p0 $0x88, s6;
	s7 =	simm.s32 @p2 $0x1082  }
0x22: {  	[simem:s7], [sflag:s8] =	dma.local @!p0 [hbm:s6], $0xF7A  }
0x23: {  	s9 =	sor.u32 $0xD0000000, s2;
	s6 =	simm.s32 $0x108;
	_ =	swait.ge @!p0 [sflag:s8], $0x0  }
0x24: {  	s3 =	sadd.s32 $0x88, s3;
	s6 =	simm.s32 @!p1 $0x1082;
	[sflag:s4] =	ssyncset.s32 $0xFFFFF086  }
0x25: {  	[simem:s6], [sflag:s4] =	dma.local [hbm:s3], $0xF7A  }
0x26: {  	[smem:$0x3F8D] =	sst s1;
	(tag) =	ssettag s2;
	_ =	strace s9  }
0x27: {  	s1 =	sld [smem:$0x3F9D]  }
0x28: {  	s2 =	sld [smem:$0x3F9E]  }
0x29: {  	s4 =	sld [smem:$0x3FA0]  }
0x2a: {  	p0 =	seq.s32 s5, $0x0;
	s5 =	sld [smem:$0x3FA1]  }
0x2b: {  	s6 =	sld [smem:$0x3FA2]  }
0x2c: {  	s7 =	sld [smem:$0x3FA3]  }
0x2d: {  	s3 =	simm.s32 $0x108;
	s8 =	sld [smem:$0x3FA4]  }
0x2e: {  	s3 =	simm.s32 @!p0 $0x1082;
	s9 =	sld [smem:$0x3FA5]  }
0x2f: {  	lr =	sadd.s32 s0, s3;
	s0 =	sld [smem:$0x3F9C]  }
0x30: {  	s3 =	sld [smem:$0x3F9F]  }
0x31: {  	[smem:$0x3FA8] =	sst s10  }
0x32: {  	s10 =	sld [smem:$0x3FA6];
	_ =	sdelay $0x3  }
0x33: {  	p0 =	seq.s32 s10, $0x1;
	s10 =	sld [smem:$0x3FA8];
	_ =	sdelay $0x3  }
0x34: {  	[smem:$0x3FA8] =	sst s10  }
0x35: {  	s10 =	sld [smem:$0x3FA7];
	_ =	sdelay $0x3  }
0x36: {  	p1 =	seq.s32 s10, $0x1;
	s10 =	sld [smem:$0x3FA8];
	_ =	sdelay $0x3  }
0x37: {  	[smem:$0x3FA8] =	sst s10  }
0x38: {  	s10 =	sld [smem:$0x3FA9]  }
0x39: {  	_ = 	snop;
	(pc) =	sbr.ind lr, $3  }
0x3a: {  	_ = 	snop  }
0x3b: {  	_ = 	snop  }
0x3c: {  	p2 =	seq.s32 s10, $0x1;
	s10 =	sld [smem:$0x3FA8]  }
0x3d: {  	_ =	shalt  }
0x3e: {  	_ =	shalt  }
0x3f: {  	_ =	shalt  }
0x40: {  	_ =	shalt  }
0x41: {  	_ =	shalt  }
0x42: {  	_ =	shalt  }
0x43: {  	_ =	shalt  }
0x44: {  	_ =	shalt  }
0x45: {  	_ =	shalt  }
0x46: {  	_ =	shalt  }
0x47: {  	_ =	shalt  }
0x48: {  	_ =	shalt  }
0x49: {  	_ =	shalt  }
0x4a: {  	_ =	shalt  }
0x4b: {  	_ =	shalt  }
0x4c: {  	_ =	shalt  }
0x4d: {  	_ =	shalt  }
0x4e: {  	_ =	shalt  }
0x4f: {  	_ =	shalt  }
0x50: {  	_ =	shalt  }
0x51: {  	_ =	shalt  }
0x52: {  	_ =	shalt  }
0x53: {  	_ =	shalt  }
0x54: {  	_ =	shalt  }
0x55: {  	_ =	shalt  }
0x56: {  	_ =	shalt  }
0x57: {  	_ =	shalt  }
0x58: {  	_ =	shalt  }
0x59: {  	_ =	shalt  }
0x5a: {  	_ =	shalt  }
0x5b: {  	_ =	shalt  }
0x5c: {  	_ =	shalt  }
0x5d: {  	_ =	shalt  }
0x5e: {  	_ =	shalt  }
0x5f: {  	_ =	shalt  }
0x60: {  	_ =	shalt  }
0x61: {  	_ =	shalt  }
0x62: {  	_ =	shalt  }
0x63: {  	_ =	shalt  }
0x64: {  	_ =	shalt  }
0x65: {  	_ =	shalt  }
0x66: {  	_ =	shalt  }
0x67: {  	_ =	shalt  }
0x68: {  	_ =	shalt  }
0x69: {  	_ =	shalt  }
0x6a: {  	_ =	shalt  }
0x6b: {  	_ =	shalt  }
0x6c: {  	_ =	shalt  }
0x6d: {  	_ =	shalt  }
0x6e: {  	_ =	shalt  }
0x6f: {  	_ =	shalt  }
0x70: {  	_ =	shalt  }
0x71: {  	_ =	shalt  }
0x72: {  	_ =	shalt  }
0x73: {  	_ =	shalt  }
0x74: {  	_ =	shalt  }
0x75: {  	_ =	shalt  }
0x76: {  	_ =	shalt  }
0x77: {  	_ =	shalt  }
0x78: {  	_ =	shalt  }
0x79: {  	_ =	shalt  }
0x7a: {  	_ =	shalt  }
0x7b: {  	_ =	shalt  }
0x7c: {  	_ =	shalt  }
0x7d: {  	_ =	shalt  }
0x7e: {  	_ =	shalt  }
0x7f: {  	_ =	shalt  }
0x80: {  	_ =	shalt  }
0x81: {  	_ =	shalt  }
0x82: {  	_ =	shalt  }
0x83: {  	_ =	shalt  }
0x84: {  	_ =	shalt  }
0x85: {  	_ =	shalt  }
0x86: {  	_ =	shalt  }
0x87: {  	_ =	shalt  }
.Lfunc_end0:
.L_simem_size_0:
called_computation_lowered:
.L_overlay_start_0:
0x88: {  	s2 =	sld [smem:$0x3FD9]  }
0x89: {  	s3 =	sld [smem:$0x3FFE];
	_ =	sdelay $0x1  }
0x8a: {  	s1 =	srdreg.scid  }
0x8b: {  	s0 =	sand.u32 $0x1, s1  }
0x8c: {  	s16 =	sshll.u32 s0, $0xA;
	s2 =	sadd.s32 s3, s2  }
0x8d: {  	s2 =	sadd.s32 s2, s16  }
0x8e: {  	[smem:$0x3FB4] =	sst s2  }
0x8f: {  	_ = 	snop  }
0x90: {  	(tm) =	ssettm $0x1  }
0x91: {  	s17 =	sld [smem:$0x3FFB];
	_ =	sdelay $0x3  }
0x92: {  	_ =	strace s17  }
0x93: {  	s2 =	sld [smem:$0x3FFC];
	_ =	sdelay $0x3  }
0x94: {  	_ =	strace s2  }
0x95: {  	s2 =	sld [smem:$0x3FFD];
	_ =	sdelay $0x3  }
0x96: {  	_ =	strace s2  }
0x97: {  	_ =	strace $0x8FFFFFFF  }
0x98: {  	s18 =	sld [smem:$0x3FDB];
	_ =	sdelay $0x1  }
0x99: {  	s19 =	simm.s32 $_scs_section_size  }
0x9a: {  	s4 =	simm.s32 $_size__tile_overlayer_lowered;
	s5 =	simm.s32 $_tile_overlayer_lowered  }
0x9b: {  	s22 =	simm.s32 $0x1BFF;
	s21 =	sshll.u32 s5, $0x1;
	s2 =	sadd.s32 s19, s18  }
0x9c: {  	s6 =	simm.s32 $0x0;
	s20 =	sshll.u32 s4, $0x1;
	s4 =	sadd.s32 s21, s2  }
0x9d: {  	[timem:s6], [sflag:s22] =	dma.local [hbm:s4], s20  }
0x9e: {  	_ =	swait.ge [sflag:s22], s20  }
0x9f: {  	s3 =	ssub.s32 $0x0, s20;
	[sflag:s22] =	ssyncset.done $0x0  }
0xa0: {  	[sflag:s22] =	ssyncadd.s32 s3;
	_ =	sdelay $0x1  }
0xa1: {  	s23 =	simm.s32 $0x1B8B  }
0xa2: {  	_ =	swait.ge [sflag:s23], $0x1  }
0xa3: {  	[sflag:s23] =	ssyncset.done $0x0  }
0xa4: {  	s25 =	simm.s32 $0x1B8E;
	s24 =	sld [smem:$0x3FFE];
	[sflag:s23] =	ssyncadd.s32 $0xFFFFFFFF  }
0xa5: {  	s26 =	simm.s32 $execute0_lowered;
	[smem:$0x3FD2] =	sst s25  }
0xa6: {  	s4 =	sshll.u32 s26, $0x1;
	_ =	strace $0x80000046;
	[dreg:$0x1] =	wrdreg $0xFFFFFFFF  }
0xa7: {  	s28 =	simm.s32 $_size_execute0_lowered;
	s2 =	sadd.s32 s2, s4;
	[dreg:$0x0] =	wrdreg $0x0  }
0xa8: {  	s4 =	sshll.u32 s28, $0x1;
	[dreg:$0x2] =	wrdreg s2  }
0xa9: {  	[dreg:$0x3] =	wrdreg s4  }
0xaa: {  	[dreg:$0x4] =	wrdreg $0xC0  }
0xab: {  	_ =	task [dreg:s6], $0x5FFFF  }
0xac: {  	[dreg:$0x1] =	wrdreg $0xFFFFFFFF  }
0xad: {  	[dreg:$0x0] =	wrdreg $0x60  }
0xae: {  	[dreg:$0x2] =	wrdreg s24  }
0xaf: {  	[dreg:$0x3] =	wrdreg $0x148C00  }
0xb0: {  	[dreg:$0x4] =	wrdreg $0x196E00  }
0xb1: {  	[dreg:$0x5] =	wrdreg $0x9  }
0xb2: {  	_ =	task.clear_ibuf [dreg:s6], $0x6FFFF;
	_ =	strace $0x90000046  }
0xb3: {  	s29 =	simm.s32 $0x9;
	_ =	strace $0x80000048  }
0xb4: {  	_ =	swait.ge [sflag:s29], $0x1  }
0xb5: {  	[sflag:s29] =	ssyncadd.s32 $0xFFFFFFFF  }
0xb6: {  	_ =	strace $0x90000048  }
0xb7: {  	_ =	sfence  }
0xb8: {  	s30 =	sld [smem:$0x0];
	_ =	sdelay $0x2  }
0xb9: {  	s31 =	sshll.u32 s1, $0xD;
	s1 =	sshrl.u32 s1, $0x2  }
0xba: {  	s3 =	sand.u32 $0x4000, s31;
	s1 =	sadd.s32 s1, s30  }
0xbb: {  	s0 =	sor.u32 s3, s0;
	s1 =	sshll.u32 s1, $0x11  }
0xbc: {  	s0 =	sor.u32 s1, s0  }
0xbd: {  	s0 =	sadd.s32 $0x8F2B, s0  }
0xbe: {  	[sflag:s0] =	ssyncadd.remote.s32 $0x1  }
0xbf: {  	_ =	sfence.sel $0xFFFF  }
0xc0: {  	[dreg:$0x0] =	wrdreg $0xFFFFFFFF;
	(pc) =	sbr.abs _section_cstart, $3  }
0xc1: {  	[dreg:$0x1] =	wrdreg $0xFFFFFFFF  }
0xc2: {  	_ =	task.clear_ibuf [dreg:s6], $0x2FFFF;
	_ =	strace $0x9FFFFFFF  }
0xc3: {  	(tm) =	ssettm $0x7FFFFFFF  }
tec
execute0_lowered:
.L_overlay_start_1:
0x0: {  	(tag) =	ssettag $0x1  }
0x1: {  	s0 =	srdreg.scid;
	s4 =	rddreg [dreg:$0x0]  }
0x2: {  	s1 =	rddreg [dreg:$0x1];
	s7 =	stileid.u32  }
0x3: {  	s2 =	rddreg [dreg:$0x2];
	s15 =	simm.s32 $0x9;
	s28 =	simm.s32 $0x2  }
0x4: {  	s29 =	simm.s32 $0x4;
	s30 =	simm.s32 $0x5;
	s17 =	smul.u32 $0x2710, s7  }
0x5: {  	s31 =	simm.s32 $0x7;
	s0 =	sand.u32 $0x1, s0;
	s22 =	smul.u32 $0x9C40, s7  }
0x6: {  	s6 =	sadd.s32 $0x17400, s4;
	s3 =	sshll.u32 s0, $0x4;
	s13 =	smul.u32 $0x27100, s0  }
0x7: {  	s10 =	ssub.s32 $0x2, s0;
	s0 =	smul.u32 $0x9C400, s0;
	s8 =	sor.u32 s7, s3  }
0x8: {  	p0 =	sne.s32 s7, $0x0;
	s3 =	simm.s32 $0x0;
	s5 =	smul.u32 $0x4EC, s8  }
0x9: {  	s12 =	sshrl.u32 s10, $0x1;
	[smem:$0x7FF] =	sst s3;
	s11 =	smul.u32 $0x9C40, s8  }
0xa: {  	s10 =	ssub.s32 s10, s12;
	s18 =	smul.u32 $0x4E200, s8;
	s21 =	sadd.s32 s17, s13  }
0xb: {  	s0 =	sadd.s32 s22, s0;
	s22 =	simm.s32 $0x3;
	_ =	strace $0x80000047  }
0xc: {  	[dreg:$0x7] =	wrdreg s6;
	s6 =	sadd.s32 $0x176E00, s4;
	s26 =	smax.u32 s10, $0x1  }
0xd: {  	s0 =	sadd.s32 $0x7D0, s0;
	s9 =	sadd.s32 s5, s4;
	[dreg:$0xf] =	wrdreg s26  }
0xe: {  	s5 =	sadd.s32 $0x3E600, s4;
	s4 =	sadd.s32 $0x17404, s4;
	[dreg:$0x6] =	wrdreg s0  }
0xf: {  	s8 =	sshll.u32 s21, $0x2;
	s20 =	sadd.s32 s6, s11;
	[dreg:$0xa] =	wrdreg s4  }
0x10: {  	s8 =	sadd.s32 $0x7D0, s8;
	s0 =	sshrl.u32 @!p0 s1, $0x3;
	[dreg:$0xc] =	wrdreg s20  }
0x11: {  	s26 =	simm.s32 $0x10A40;
	s16 =	sadd.s32 $0x3800, s9;
	[dreg:$0x10] =	wrdreg s0  }
0x12: {  	s9 =	sadd.s32 $0xD600, s9;
	s19 =	sadd.s32 s5, s11;
	[dreg:$0x8] =	wrdreg s16  }
0x13: {  	s4 =	sshrl.u32 s18, $0x3;
	s24 =	sadd.s32 s8, s5;
	[dreg:$0x9] =	wrdreg s9  }
0x14: {  	s25 =	sadd.s32 s8, s6;
	s18 =	sshrl.u32 @!p0 s2, $0x3;
	[dreg:$0xb] =	wrdreg s19  }
0x15: {  	s0 =	simm.s32 $0x6;
	s4 =	sadd.s32 $0x9470, s4;
	[dreg:$0x4] =	wrdreg s24  }
0x16: {  	[dreg:$0x5] =	wrdreg s25;
	s19 =	simm.s32 $0x1F4;
	s23 =	sadd.s32 s5, s4  }
0x17: {  	s24 =	simm.s32 $0x8D40;
	s4 =	sadd.s32 s6, s4;
	[dreg:$0xd] =	wrdreg s23  }
0x18: {  	s25 =	simm.s32 $0x0;
	[dreg:$0xe] =	wrdreg s4;
	s23 =	simm.s32 $0x8  }
.LBB2_1:
0x19: {  	s4 =	rddreg [dreg:$0x8]  }
0x1a: {  	[tilespmem:s3], [sflag:$0x9] =	stream.linear.gather [hbm4b:s4+s3], $0x2760, $0x38;
	[tilespmem:$0x1E500] =	vst v63  }
0x1b: {  	_ =	swait.ge [sflag:s15], $0x2760  }
0x1c: {  	[sflag:s15] =	ssyncset.done $0x0  }
0x1d: {  	s12 =	simm.s32 $0x2760;
	s10 =	rddreg [dreg:$0x9];
	[sflag:s15] =	ssyncadd.s32 $0xFFFFD8A0  }
0x1e: {  	[tilespmem:s12], [sflag:$0x9] =	stream.linear.gather [hbm4b:s10+s3], $0x2760, $0x38;
	[tilespmem:$0x1E500] =	vst v63  }
0x1f: {  	s7 =	simm.s32 @!p0 $0x4;
	s8 =	simm.s32 @!p0 $0x10;
	_ =	swait.ge [sflag:s15], $0x2760  }
0x20: {  	s9 =	simm.s32 @!p0 $0x1C09;
	[sflag:s15] =	ssyncset.done $0x0;
	s10 =	rddreg [dreg:$0x7]  }
0x21: {  	s4 =	simm.s32 @!p0 $0x1;
	s11 =	rddreg [dreg:$0x10];
	[sflag:s15] =	ssyncadd.s32 $0xFFFFD8A0  }
0x22: {  	[spmem:s11@s7], [sflag:s9] =	dma.strided @!p0 [hbm:s10@s8], $0x9C40, s4, $0x4   }
0x23: {  	s10 =	simm.s32 @!p0 $0x9  }
0x24: {  	_ =	swait.ge @!p0 [sflag:s10], $0x9C40  }
0x25: {  	[sflag:s10] =	ssyncset.done @!p0 $0x0  }
0x26: {  	s11 =	rddreg [dreg:$0xa];
	[sflag:s10] =	ssyncadd.s32 @!p0 $0xFFFF63C0  }
0x27: {  	[spmem:s18@s7], [sflag:s9] =	dma.strided @!p0 [hbm:s11@s8], $0x9C40, s4, $0x4   }
0x28: {  	_ =	swait.ge @!p0 [sflag:s10], $0x9C40  }
0x29: {  	[sflag:s10] =	ssyncset.done @!p0 $0x0  }
0x2a: {  	[sflag:s10] =	ssyncadd.s32 @!p0 $0xFFFF63C0  }
0x2b: {  	s11 =	simm.s32 $0x4EC0;
	[bflag:$0x0] =	sbarrier.arrive $0xFFFF  }
0x2c: {  	[tilespmem:s11], [sflag:$0x1] =	stream.indirect.gather [spmem:s1], $0x20, s3, s19, $0xb8;
	[tilespmem:$0x1E500] =	vst v63  }
0x2d: {  	s13 =	simm.s32 $0xCBC0;
	s14 =	simm.s32 $0x1  }
0x2e: {  	[tilespmem:s13], [sflag:$0x3] =	stream.indirect.gather [spmem:s2], $0x20, s12, s19, $0xb8;
	[tilespmem:$0x1E500] =	vst v63  }
0x2f: {  	_ =	swait.ge [sflag:s14], $0x3E80  }
0x30: {  	[sflag:s14] =	ssyncset.done $0x0  }
0x31: {  	[sflag:s14] =	ssyncadd.s32 $0xFFFFC180  }
0x32: {  	_ =	swait.ge [sflag:s22], $0x3E80  }
0x33: {  	[sflag:s22] =	ssyncset.done $0x0  }
0x34: {  	s16 =	rddreg [dreg:$0xb];
	[sflag:s22] =	ssyncadd.s32 $0xFFFFC180  }
0x35: {  	[hbm4b:s16+s3] =	stream.linear.scatter [tilespmem:s11], [sflag:$0x5], $0x3E80, $0x38;
	[tilespmem:$0x1E500] =	vst v63  }
0x36: {  	s4 =	sand.u32 $0x1, s14;
	s17 =	rddreg [dreg:$0xc]  }
0x37: {  	[hbm4b:s17+s3] =	stream.linear.scatter [tilespmem:s13], [sflag:$0x7], $0x3E80, $0x38;
	[tilespmem:$0x1E500] =	vst v63  }
0x38: {  	s20 =	simm.s32 $0x1F8;
	p2 =	seq.s32 s4, $0x1  }
0x39: {  	[tilespmem:s24], [sflag:$0x2] =	stream.indirect.gather [spmem:s1], $0x20, s20, s19, $0xb8;
	[tilespmem:$0x1E500] =	vst v63  }
0x3a: {  	s21 =	simm.s32 $0x2958;
	s4 =	simm.s32 @p2 $0x2  }
0x3b: {  	[tilespmem:s26], [sflag:$0x4] =	stream.indirect.gather [spmem:s2], $0x20, s21, s19, $0xb8;
	[tilespmem:$0x1E500] =	vst v63  }
0x3c: {  	_ =	swait.ge @p2 [sflag:s4], $0x3E80  }
0x3d: {  	p1 =	por p2, p2;
	[sflag:s4] =	ssyncset.done @p2 $0x0  }
0x3e: {  	[sflag:s4] =	ssyncadd.s32 @p1 $0xFFFFC180;
	s4 =	simm.s32 @p1 $0x4  }
0x3f: {  	_ =	swait.ge @p1 [sflag:s4], $0x3E80  }
0x40: {  	s7 =	rddreg [dreg:$0x4]  }
0x41: {  	s9 =	simm.s32 @p1 $0x8D40;
	[sflag:s4] =	ssyncset.done @p1 $0x0;
	s8 =	rddreg [dreg:$0x5]  }
0x42: {  	[sflag:s4] =	ssyncadd.s32 @p1 $0xFFFFC180;
	s4 =	sadd.s32 @p1 $0x0, s7;
	s7 =	simm.s32 @p1 $0x0  }
0x43: {  	[hbm4b:s4+s7] =	stream.linear.scatter @p1 [tilespmem:s9], [sflag:$0x6], $0x3E80, $0x38;
	[tilespmem:$0x1E500] =	vst v63  }
0x44: {  	s4 =	sadd.s32 @p1 $0x0, s8;
	s8 =	simm.s32 @p1 $0x10A40;
	s9 =	simm.s32 @p1 $0x5  }
0x45: {  	[hbm4b:s4+s7] =	stream.linear.scatter @p1 [tilespmem:s8], [sflag:$0x8], $0x3E80, $0x38;
	[tilespmem:$0x1E500] =	vst v63  }
0x46: {  	_ =	swait.ge @p1 [sflag:s9], $0x3E80  }
0x47: {  	[sflag:s9] =	ssyncset.done @p1 $0x0  }
0x48: {  	s4 =	simm.s32 @p1 $0x7;
	[sflag:s9] =	ssyncadd.s32 @p1 $0xFFFFC180  }
0x49: {  	_ =	swait.ge @p1 [sflag:s4], $0x3E80  }
0x4a: {  	s7 =	simm.s32 @p1 $0x4EC0;
	[sflag:s4] =	ssyncset.done @p1 $0x0  }
0x4b: {  	s9 =	simm.s32 $0x3F0;
	[sflag:s4] =	ssyncadd.s32 @p1 $0xFFFFC180;
	s4 =	simm.s32 @p1 $0x1F4  }
0x4c: {  	[tilespmem:s7], [sflag:$0x1] =	stream.indirect.gather @p1 [spmem:s1], $0x20, s9, s4, $0xb8;
	[tilespmem:$0x1E500] =	vst v63  }
0x4d: {  	s10 =	simm.s32 $0x2B50;
	s8 =	simm.s32 @!p1 $0x1;
	s7 =	simm.s32 @p1 $0xCBC0  }
0x4e: {  	[tilespmem:s7], [sflag:$0x3] =	stream.indirect.gather @p1 [spmem:s2], $0x20, s10, s4, $0xb8;
	[tilespmem:$0x1E500] =	vst v63  }
0x4f: {  	_ =	swait.ge @!p1 [sflag:s8], $0x3E80  }
0x50: {  	[sflag:s8] =	ssyncset.done @!p1 $0x0  }
0x51: {  	s4 =	simm.s32 @!p1 $0x3;
	[sflag:s8] =	ssyncadd.s32 @!p1 $0xFFFFC180  }
0x52: {  	_ =	swait.ge @!p1 [sflag:s4], $0x3E80  }
0x53: {  	s7 =	rddreg [dreg:$0x6]  }
0x54: {  	[sflag:s4] =	ssyncset.done @!p1 $0x0;
	s7 =	sadd.s32 @!p1 $0x0, s7  }
0x55: {  	[sflag:s4] =	ssyncadd.s32 @!p1 $0xFFFFC180;
	s4 =	sand.u32 @!p1 $0x1FFFFFE0, s7  }
0x56: {  	s11 =	simm.s32 @!p1 $0x0;
	s7 =	simm.s32 @!p1 $0x4EC0;
	s8 =	sadd.s32 @!p1 s5, s4  }
0x57: {  	[hbm4b:s8+s11] =	stream.linear.scatter @!p1 [tilespmem:s7], [sflag:$0x5], $0x3E80, $0x38;
	[tilespmem:$0x1E500] =	vst v63  }
0x58: {  	s13 =	simm.s32 @!p1 $0x6;
	s4 =	sadd.s32 @!p1 s6, s4;
	s7 =	simm.s32 @!p1 $0xCBC0  }
0x59: {  	[hbm4b:s4+s11] =	stream.linear.scatter @!p1 [tilespmem:s7], [sflag:$0x7], $0x3E80, $0x38;
	[tilespmem:$0x1E500] =	vst v63  }
0x5a: {  	s12 =	simm.s32 @!p2 $0x10A40;
	_ =	swait.ge @!p1 [sflag:s13], $0x3E80  }
0x5b: {  	s14 =	simm.s32 @!p1 $0x8D40;
	s8 =	simm.s32 $0x7D0;
	[sflag:s13] =	ssyncset.done @!p1 $0x0  }
0x5c: {  	s7 =	simm.s32 @!p1 $0x8;
	[sflag:s13] =	ssyncadd.s32 @!p1 $0xFFFFC180;
	s13 =	simm.s32 $0x2  }
0x5d: {  	s11 =	simm.s32 $0xFA0;
	_ =	swait.ge @!p1 [sflag:s7], $0x3E80;
	s16 =	sand.u32 $0x1, s13  }
0x5e: {  	s4 =	simm.s32 $0x2D48;
	[sflag:s7] =	ssyncset.done @!p1 $0x0;
	p3 =	seq.s32 s16, $0x1  }
0x5f: {  	s16 =	simm.s32 @!p1 $0x1F4;
	[sflag:s7] =	ssyncadd.s32 @!p1 $0xFFFFC180;
	s7 =	simm.s32 $0x5E8  }
.LBB2_2:
0x60: {  	[tilespmem:s14], [sflag:$0x2] =	stream.indirect.gather @!p1 [spmem:s1], $0x20, s9, s16, $0xb8;
	[tilespmem:$0x1E500] =	vst v63  }
0x61: {  	s20 =	simm.s32 @p3 $0x2  }
0x62: {  	[tilespmem:s12], [sflag:$0x4] =	stream.indirect.gather @!p1 [spmem:s2], $0x20, s10, s16, $0xb8;
	[tilespmem:$0x1E500] =	vst v63  }
0x63: {  	_ =	swait.ge @p3 [sflag:s20], $0x3E80  }
0x64: {  	p1 =	por p3, p3;
	[sflag:s20] =	ssyncset.done @p3 $0x0  }
0x65: {  	s16 =	simm.s32 @p1 $0x4;
	[sflag:s20] =	ssyncadd.s32 @p1 $0xFFFFC180  }
0x66: {  	s21 =	simm.s32 @!p3 $0x10A40;
	_ =	swait.ge @p1 [sflag:s16], $0x3E80  }
0x67: {  	s12 =	smov.u32 s21;
	s20 =	rddreg [dreg:$0x4]  }
0x68: {  	s17 =	simm.s32 @p1 $0x8D40;
	[sflag:s16] =	ssyncset.done @p1 $0x0;
	s21 =	rddreg [dreg:$0x5]  }
0x69: {  	[sflag:s16] =	ssyncadd.s32 @p1 $0xFFFFC180;
	s16 =	sadd.s32 @p1 s8, s20;
	s20 =	simm.s32 @p1 $0x0  }
0x6a: {  	[hbm4b:s16+s20] =	stream.linear.scatter @p1 [tilespmem:s17], [sflag:$0x6], $0x3E80, $0x38;
	[tilespmem:$0x1E500] =	vst v63  }
0x6b: {  	s16 =	sadd.s32 @p1 s8, s21;
	s17 =	simm.s32 @p1 $0x10A40;
	s21 =	simm.s32 @p1 $0x5  }
0x6c: {  	[hbm4b:s16+s20] =	stream.linear.scatter @p1 [tilespmem:s17], [sflag:$0x8], $0x3E80, $0x38;
	[tilespmem:$0x1E500] =	vst v63  }
0x6d: {  	_ =	swait.ge @p1 [sflag:s21], $0x3E80  }
0x6e: {  	[sflag:s21] =	ssyncset.done @p1 $0x0  }
0x6f: {  	s16 =	simm.s32 @p1 $0x7;
	[sflag:s21] =	ssyncadd.s32 @p1 $0xFFFFC180  }
0x70: {  	_ =	swait.ge @p1 [sflag:s16], $0x3E80  }
0x71: {  	[sflag:s16] =	ssyncset.done @p1 $0x0  }
0x72: {  	s17 =	simm.s32 @p1 $0x4EC0;
	[sflag:s16] =	ssyncadd.s32 @p1 $0xFFFFC180;
	s16 =	simm.s32 @p1 $0x1F4  }
0x73: {  	[tilespmem:s17], [sflag:$0x1] =	stream.indirect.gather @p1 [spmem:s1], $0x20, s7, s16, $0xb8;
	[tilespmem:$0x1E500] =	vst v63  }
0x74: {  	s20 =	simm.s32 @!p1 $0x1;
	s17 =	simm.s32 @p1 $0xCBC0  }
0x75: {  	[tilespmem:s17], [sflag:$0x3] =	stream.indirect.gather @p1 [spmem:s2], $0x20, s4, s16, $0xb8;
	[tilespmem:$0x1E500] =	vst v63  }
0x76: {  	_ =	swait.ge @!p1 [sflag:s20], $0x3E80  }
0x77: {  	[sflag:s20] =	ssyncset.done @!p1 $0x0  }
0x78: {  	s16 =	simm.s32 @!p1 $0x3;
	[sflag:s20] =	ssyncadd.s32 @!p1 $0xFFFFC180  }
0x79: {  	_ =	swait.ge @!p1 [sflag:s16], $0x3E80  }
0x7a: {  	s14 =	smov.u32 s11;
	s17 =	rddreg [dreg:$0x6]  }
0x7b: {  	s11 =	sadd.s32 $0x7D0, s11;
	s20 =	simm.s32 @!p1 $0x0;
	s17 =	sadd.s32 @!p1 s8, s17  }
0x7c: {  	[sflag:s16] =	ssyncset.done @!p1 $0x0;
	s8 =	smov.u32 s14;
	s14 =	sand.u32 @!p1 $0x1FFFFFE0, s17  }
0x7d: {  	[sflag:s16] =	ssyncadd.s32 @!p1 $0xFFFFC180;
	s16 =	simm.s32 @!p1 $0x4EC0;
	s17 =	sadd.s32 @!p1 s5, s14  }
0x7e: {  	[hbm4b:s17+s20] =	stream.linear.scatter @!p1 [tilespmem:s16], [sflag:$0x5], $0x3E80, $0x38;
	[tilespmem:$0x1E500] =	vst v63  }
0x7f: {  	s14 =	sadd.s32 @!p1 s6, s14;
	s16 =	simm.s32 @!p1 $0xCBC0;
	s17 =	simm.s32 @!p1 $0x6  }
0x80: {  	[hbm4b:s14+s20] =	stream.linear.scatter @!p1 [tilespmem:s16], [sflag:$0x7], $0x3E80, $0x38;
	[tilespmem:$0x1E500] =	vst v63  }
0x81: {  	s9 =	smov.u32 s7;
	p2 =	sne.s32 s11, $0x8CA0;
	_ =	swait.ge @!p1 [sflag:s17], $0x3E80  }
.Ltmp0:
0x82: {  	s13 =	sadd.s32 $0x1, s13;
	[sflag:s17] =	ssyncset.done @!p1 $0x0;
	(pc) =	sbr.rel @p2 .LBB2_2-.Ltmp0, $4  }
0x83: {  	s21 =	sand.u32 $0x1, s13;
	[sflag:s17] =	ssyncadd.s32 @!p1 $0xFFFFC180;
	s17 =	simm.s32 @!p1 $0x8  }
0x84: {  	s10 =	smov.u32 s4;
	p3 =	seq.s32 s21, $0x1;
	_ =	swait.ge @!p1 [sflag:s17], $0x3E80  }
0x85: {  	s7 =	sadd.s32 $0x1F8, s7;
	s4 =	sadd.s32 $0x1F8, s4;
	[sflag:s17] =	ssyncset.done @!p1 $0x0  }
0x86: {  	s14 =	simm.s32 @!p1 $0x8D40;
	s16 =	simm.s32 @!p1 $0x1F4;
	[sflag:s17] =	ssyncadd.s32 @!p1 $0xFFFFC180  }
0x87: {  	[tilespmem:s14], [sflag:$0x2] =	stream.indirect.gather @!p1 [spmem:s1], $0x20, s9, s16, $0xb8;
	[tilespmem:$0x1E500] =	vst v63  }
0x88: {  	s9 =	simm.s32 @p3 $0x2  }
0x89: {  	[tilespmem:s12], [sflag:$0x4] =	stream.indirect.gather @!p1 [spmem:s2], $0x20, s10, s16, $0xb8;
	[tilespmem:$0x1E500] =	vst v63  }
0x8a: {  	_ =	swait.ge @p3 [sflag:s9], $0x3E80  }
0x8b: {  	p1 =	por p3, p3;
	[sflag:s9] =	ssyncset.done @p3 $0x0  }
0x8c: {  	[sflag:s9] =	ssyncadd.s32 @p1 $0xFFFFC180;
	s9 =	simm.s32 @p1 $0x4  }
0x8d: {  	_ =	swait.ge @p1 [sflag:s9], $0x3E80  }
0x8e: {  	s10 =	rddreg [dreg:$0x4]  }
0x8f: {  	s12 =	simm.s32 @p1 $0x8D40;
	[sflag:s9] =	ssyncset.done @p1 $0x0;
	s11 =	rddreg [dreg:$0x5]  }
0x90: {  	[sflag:s9] =	ssyncadd.s32 @p1 $0xFFFFC180;
	s9 =	sadd.s32 @p1 s8, s10;
	s10 =	simm.s32 @p1 $0x0  }
0x91: {  	[hbm4b:s9+s10] =	stream.linear.scatter @p1 [tilespmem:s12], [sflag:$0x6], $0x3E80, $0x38;
	[tilespmem:$0x1E500] =	vst v63  }
0x92: {  	s9 =	sadd.s32 @p1 s8, s11;
	s11 =	simm.s32 @p1 $0x10A40;
	s12 =	simm.s32 @p1 $0x5  }
0x93: {  	[hbm4b:s9+s10] =	stream.linear.scatter @p1 [tilespmem:s11], [sflag:$0x8], $0x3E80, $0x38;
	[tilespmem:$0x1E500] =	vst v63  }
0x94: {  	_ =	swait.ge @p1 [sflag:s12], $0x3E80  }
0x95: {  	[sflag:s12] =	ssyncset.done @p1 $0x0  }
0x96: {  	s9 =	simm.s32 @p1 $0x7;
	[sflag:s12] =	ssyncadd.s32 @p1 $0xFFFFC180  }
0x97: {  	_ =	swait.ge @p1 [sflag:s9], $0x3E80  }
0x98: {  	[sflag:s9] =	ssyncset.done @p1 $0x0  }
0x99: {  	s10 =	simm.s32 @p1 $0x4EC0;
	[sflag:s9] =	ssyncadd.s32 @p1 $0xFFFFC180;
	s9 =	simm.s32 @p1 $0x1F4  }
0x9a: {  	[tilespmem:s10], [sflag:$0x1] =	stream.indirect.gather @p1 [spmem:s1], $0x20, s7, s9, $0xb8;
	[tilespmem:$0x1E500] =	vst v63  }
0x9b: {  	s11 =	simm.s32 @!p1 $0x1;
	s10 =	simm.s32 @p1 $0xCBC0  }
0x9c: {  	[tilespmem:s10], [sflag:$0x3] =	stream.indirect.gather @p1 [spmem:s2], $0x20, s4, s9, $0xb8;
	[tilespmem:$0x1E500] =	vst v63  }
0x9d: {  	_ =	swait.ge @!p1 [sflag:s11], $0x3E80  }
0x9e: {  	[sflag:s11] =	ssyncset.done @!p1 $0x0  }
0x9f: {  	s9 =	simm.s32 @!p1 $0x3;
	[sflag:s11] =	ssyncadd.s32 @!p1 $0xFFFFC180  }
0xa0: {  	_ =	swait.ge @!p1 [sflag:s9], $0x3E80  }
0xa1: {  	s10 =	rddreg [dreg:$0x6]  }
0xa2: {  	s8 =	sadd.s32 @!p1 s8, s10  }
0xa3: {  	s11 =	simm.s32 @!p1 $0x0;
	[sflag:s9] =	ssyncset.done @!p1 $0x0;
	s8 =	sand.u32 @!p1 $0x1FFFFFE0, s8  }
0xa4: {  	[sflag:s9] =	ssyncadd.s32 @!p1 $0xFFFFC180;
	s9 =	simm.s32 @!p1 $0x4EC0;
	s10 =	sadd.s32 @!p1 s5, s8  }
0xa5: {  	[hbm4b:s10+s11] =	stream.linear.scatter @!p1 [tilespmem:s9], [sflag:$0x5], $0x3E80, $0x38;
	[tilespmem:$0x1E500] =	vst v63  }
0xa6: {  	s8 =	sadd.s32 @!p1 s6, s8;
	s9 =	simm.s32 @!p1 $0xCBC0;
	s10 =	simm.s32 @!p1 $0x6  }
0xa7: {  	[hbm4b:s8+s11] =	stream.linear.scatter @!p1 [tilespmem:s9], [sflag:$0x7], $0x3E80, $0x38;
	[tilespmem:$0x1E500] =	vst v63  }
0xa8: {  	_ =	swait.ge @!p1 [sflag:s10], $0x3E80  }
0xa9: {  	[sflag:s10] =	ssyncset.done @!p1 $0x0  }
0xaa: {  	s8 =	simm.s32 @!p1 $0x8;
	[sflag:s10] =	ssyncadd.s32 @!p1 $0xFFFFC180  }
0xab: {  	_ =	swait.ge @!p1 [sflag:s8], $0x3E80  }
0xac: {  	[sflag:s8] =	ssyncset.done @!p1 $0x0  }
0xad: {  	s9 =	simm.s32 @!p1 $0x8D40;
	s10 =	simm.s32 @!p1 $0x1F4;
	[sflag:s8] =	ssyncadd.s32 @!p1 $0xFFFFC180  }
0xae: {  	[tilespmem:s9], [sflag:$0x2] =	stream.indirect.gather @!p1 [spmem:s1], $0x20, s7, s10, $0xb8;
	[tilespmem:$0x1E500] =	vst v63  }
0xaf: {  	s7 =	simm.s32 @!p3 $0x10A40  }
0xb0: {  	[tilespmem:s7], [sflag:$0x4] =	stream.indirect.gather @!p1 [spmem:s2], $0x20, s4, s10, $0xb8;
	[tilespmem:$0x1E500] =	vst v63  }
0xb1: {  	_ =	swait.ge [sflag:s28], $0x3E80  }
0xb2: {  	[sflag:s28] =	ssyncset.done $0x0  }
0xb3: {  	[sflag:s28] =	ssyncadd.s32 $0xFFFFC180  }
0xb4: {  	_ =	swait.ge [sflag:s29], $0x3E80  }
0xb5: {  	[sflag:s29] =	ssyncset.done $0x0  }
0xb6: {  	s17 =	rddreg [dreg:$0xd];
	[sflag:s29] =	ssyncadd.s32 $0xFFFFC180  }
0xb7: {  	[hbm4b:s17+s3] =	stream.linear.scatter [tilespmem:s24], [sflag:$0x6], $0x3E80, $0x38;
	[tilespmem:$0x1E500] =	vst v63  }
0xb8: {  	s20 =	rddreg [dreg:$0xe]  }
0xb9: {  	[hbm4b:s20+s3] =	stream.linear.scatter [tilespmem:s26], [sflag:$0x8], $0x3E80, $0x38;
	[tilespmem:$0x1E500] =	vst v63  }
0xba: {  	_ =	swait.ge [sflag:s30], $0x3E80  }
0xbb: {  	[sflag:s30] =	ssyncset.done $0x0  }
0xbc: {  	[sflag:s30] =	ssyncadd.s32 $0xFFFFC180  }
0xbd: {  	_ =	swait.ge [sflag:s31], $0x3E80  }
0xbe: {  	[sflag:s31] =	ssyncset.done $0x0  }
0xbf: {  	[sflag:s31] =	ssyncadd.s32 $0xFFFFC180  }
0xc0: {  	_ =	swait.ge [sflag:s0], $0x3E80  }
0xc1: {  	[sflag:s0] =	ssyncset.done $0x0  }
0xc2: {  	[sflag:s0] =	ssyncadd.s32 $0xFFFFC180  }
0xc3: {  	_ =	swait.ge [sflag:s23], $0x3E80  }
0xc4: {  	s25 =	sadd.s32 $0x1, s25;
	s21 =	rddreg [dreg:$0xf]  }
0xc5: {  	p1 =	sne.s32 s25, s21  }
.Ltmp1:
0xc6: {  	_ = 	snop;
	(pc) =	sbr.rel @p1 .LBB2_1-.Ltmp1, $3  }
0xc7: {  	_ =	sdelay $0x1  }
0xc8: {  	[sflag:s23] =	ssyncset.done $0x0  }
0xc9: {  	[sflag:s23] =	ssyncadd.s32 $0xFFFFC180  }
0xca: {  	_ =	sfence.sel $0x180000  }
0xcb: {  	[bflag:$0x0] =	sbarrier.arrive $0xFFFF  }
0xcc: {  	_ =	strace $0x90000047  }
0xcd: {  	[bflag:$0x2] =	sbarrier.arrive $0xFFFF  }
0xce: {  	s0 =	rddreg [dreg:$0x3]  }
0xcf: {  	s0 =	sadd.s32 @!p0 $0x100000, s0  }
0xd0: {  	[sflag:s0] =	ssyncadd.tile.s32 @!p0 $0x1;
	_ =	shalt  }
.Lfunc_end2:
_tile_overlayer_lowered:
.L_overlay_start_2:
0xd1: {  	(tag) =	ssettag $0x2  }
0xd2: {  	s0 =	rddreg [dreg:$0x0];
	s2 =	stileid.u32  }
0xd3: {  	s1 =	rddreg [dreg:$0x1];
	p0 =	sne.s32 s2, $0x0  }
0xd4: {  	s3 =	rddreg [dreg:$0x2];
	[bflag:$0x3] =	sbarrier.arrive $0xFFFF;
	s2 =	simm.s32 @!p0 $0x1C09  }
0xd5: {  	[timem:s3], [sflag:s2] =	dma.local @!p0 [hbm:s0], s1  }
0xd6: {  	s0 =	simm.s32 @!p0 $0x9  }
0xd7: {  	_ =	swait.ge @!p0 [sflag:s0], s1  }
0xd8: {  	s1 =	ssub.s32 @!p0 $0x0, s1;
	[sflag:s0] =	ssyncset.done @!p0 $0x0  }
0xd9: {  	[sflag:s0] =	ssyncadd.s32 @!p0 s1  }
0xda: {  	[bflag:$0x3] =	sbarrier.arrive $0xFFFF  }
0xdb: {  	_ =	shalt  }

</sc_bundles>
